<compile_context>
chip_gen: v7x
topology: tpu7x:2x2x1
jax: 0.10.2.dev20260603
libtpu: 0.0.44.dev20260713+nightly
codegen_flags: <defaults>
</compile_context>

<pallas_src>
import functools

import jax
import jax.numpy as jnp
from jax import lax
from jax.experimental import pallas as pl
from jax.experimental.pallas import tpu as pltpu
from jax.experimental.pallas import tpu_sc as plsc

VOCAB = 1000
BATCH = 1024
SEQ = 50
N_TOK = BATCH * SEQ

_info = plsc.get_sparse_core_info()
NC, NS = _info.num_cores, _info.num_subcores
NW = NC * NS
PER_TILE = N_TOK // NW
_PICK_SLICES = [(k * 128, 128) for k in range(PER_TILE // 128)]
if PER_TILE % 128:
    _PICK_SLICES.append((PER_TILE - PER_TILE % 128, PER_TILE % 128))


def _pre_body(table_ref, lse_ref, tcopy_ref):
    t = table_ref[...]
    m = jnp.max(t, axis=1, keepdims=True)
    s = jnp.sum(jnp.exp(t - m), axis=1, keepdims=True)
    lse_ref[...] = m + jnp.log(s)
    tcopy_ref[...] = t


def _pre(table):
    return pl.pallas_call(
        _pre_body,
        out_shape=[
            jax.ShapeDtypeStruct((VOCAB, 1), jnp.float32),
            jax.ShapeDtypeStruct((VOCAB, VOCAB), jnp.float32),
        ],
    )(table)


def _sc_body(idx_hbm, tgt_hbm, tflat_hbm, lse_hbm, part_hbm,
             idx_v, tgt_v, fidx_v, vals_v, lsec_v, acc_v, sem_t):
    wid = lax.axis_index("s") * NC + lax.axis_index("c")
    base = wid * PER_TILE

    pltpu.sync_copy(idx_hbm.at[pl.ds(base, PER_TILE)], idx_v)
    pltpu.sync_copy(tgt_hbm.at[pl.ds(base, PER_TILE)], tgt_v)
    acc_v[...] = jnp.zeros((16,), jnp.float32)

    def fidx_step(j, _):
        o = pl.multiple_of(j * 16, 16)
        i16 = idx_v[pl.ds(o, 16)]
        t16 = tgt_v[pl.ds(o, 16)]
        fidx_v[pl.ds(o, 16)] = i16 * VOCAB + t16
        return 0

    lax.fori_loop(0, PER_TILE // 16, fidx_step, 0)

    def tiny_copies():
        for (o, n) in _PICK_SLICES:
            yield pltpu.make_async_copy(
                tflat_hbm.at[fidx_v.at[pl.ds(o, n)]],
                vals_v.at[pl.ds(o, n)], sem_t)
            yield pltpu.make_async_copy(
                lse_hbm.at[idx_v.at[pl.ds(o, n)]],
                lsec_v.at[pl.ds(o, n)], sem_t)

    for cp in tiny_copies():
        cp.start()
    for cp in tiny_copies():
        cp.wait()

    def loss_step(j, _):
        o = pl.multiple_of(j * 16, 16)
        acc_v[...] = acc_v[...] + lsec_v[pl.ds(o, 16)] - vals_v[pl.ds(o, 16)]
        return 0

    lax.fori_loop(0, PER_TILE // 16, loss_step, 0)
    pltpu.sync_copy(acc_v, part_hbm.at[wid])


_sc_call = functools.partial(
    pl.kernel,
    out_type=jax.ShapeDtypeStruct((NW, 16), jnp.float32),
    mesh=plsc.VectorSubcoreMesh(core_axis_name="c", subcore_axis_name="s"),
    compiler_params=pltpu.CompilerParams(use_tc_tiling_on_sc=False),
    scratch_types=[
        pltpu.VMEM((PER_TILE,), jnp.int32),
        pltpu.VMEM((PER_TILE,), jnp.int32),
        pltpu.VMEM((PER_TILE,), jnp.int32),
        pltpu.VMEM((PER_TILE,), jnp.float32),
        pltpu.VMEM((PER_TILE,), jnp.float32),
        pltpu.VMEM((16,), jnp.float32),
        pltpu.SemaphoreType.DMA,
    ],
)(_sc_body)


B_CHUNK = 1024


def _gather_body(idxT_ref, tT_ref, out_ref, tbT_ref):
    @pl.when((pl.program_id(0) == 0) & (pl.program_id(1) == 0))
    def _init():
        tbT_ref[...] = tT_ref[...].astype(jnp.bfloat16)

    idxv = idxT_ref[0, 0, :]
    kiota = jax.lax.broadcasted_iota(jnp.int32, (VOCAB, B_CHUNK), 0)
    onehotT = (kiota == idxv[None, :]).astype(jnp.float32)
    out_ref[0] = jnp.dot(tbT_ref[...], onehotT.astype(jnp.bfloat16),
                         preferred_element_type=jnp.float32)


def _gather(idx, table):
    tT = jnp.swapaxes(table, 0, 1)
    idxT = jnp.swapaxes(idx, 0, 1).reshape(SEQ, 1, BATCH)
    return pl.pallas_call(
        _gather_body,
        grid=(SEQ, BATCH // B_CHUNK),
        in_specs=[
            pl.BlockSpec((1, 1, B_CHUNK), lambda t, c: (t, 0, c)),
            pl.BlockSpec((VOCAB, VOCAB), lambda t, c: (0, 0)),
        ],
        out_specs=pl.BlockSpec((1, VOCAB, B_CHUNK), lambda t, c: (t, 0, c)),
        out_shape=jax.ShapeDtypeStruct((SEQ, VOCAB, BATCH), jnp.float32),
        scratch_shapes=[pltpu.VMEM((VOCAB, VOCAB), jnp.bfloat16)],
    )(idxT, tT)


def _loss_body(part_ref, loss_ref):
    loss_ref[...] = jnp.sum(part_ref[...]).reshape(1, 1) / N_TOK


def _loss_reduce(partials):
    return pl.pallas_call(
        _loss_body,
        out_shape=jax.ShapeDtypeStruct((1, 1), jnp.float32),
    )(partials)


@jax.jit
def kernel(idx, targets, table):
    B, T = idx.shape
    idx32 = idx.astype(jnp.int32)
    tgt_f = targets.reshape(N_TOK).astype(jnp.int32)
    lse, tcopy = _pre(table)
    partials = _sc_call(idx32.reshape(N_TOK), tgt_f,
                        tcopy.reshape(VOCAB * VOCAB), lse.reshape(VOCAB))
    logits_tvb = _gather(idx32, table)
    loss = _loss_reduce(partials)
    return jnp.transpose(logits_tvb, (2, 0, 1)), loss[0, 0]

# --- scband reference (transcript-rebuilt; emitter-appended) ---
"""Pipeline reference for scband-bigram-lm-49117245997304 (READ-ONLY COPY).

The authoritative reference and input builder live on the scoring server;
editing this copy changes nothing except your own understanding.
"""

import jax, jax.numpy as jnp
import numpy as np

VOCAB = 1000
B, T = 1024, 50


def setup_inputs(seed: int = 0) -> dict:
    key = jax.random.key(seed)
    k_idx, k_tgt, k_tab = jax.random.split(key, 3)
    idx = jax.random.randint(k_idx, (B, T), 0, VOCAB, dtype=jnp.int64 if jax.config.jax_enable_x64 else jnp.int32)
    targets = jax.random.randint(k_tgt, (B, T), 0, VOCAB, dtype=jnp.int64 if jax.config.jax_enable_x64 else jnp.int32)
    table = jax.random.normal(k_tab, (VOCAB, VOCAB), dtype=jnp.float32)
    return {"idx": idx, "targets": targets, "table": table}


def reference(idx, targets, table):
    # logits = token_embedding_table(idx): gather rows of [V, V] table
    logits = jnp.take(table, idx, axis=0)  # [B, T, V]
    Bt, Tt, C = logits.shape
    flat = logits.reshape(Bt * Tt, C)
    flat_targets = targets.reshape(Bt * Tt)
    # F.cross_entropy = mean over tokens of -log_softmax(logits)[target]
    logp = jax.nn.log_softmax(flat, axis=-1)
    nll = -jnp.take_along_axis(logp, flat_targets[:, None], axis=1)[:, 0]
    loss = jnp.mean(nll)
    return (logits, loss)

if __name__ == "__main__":
    import jax
    _d = setup_inputs()
    print(jax.jit(kernel)(*tuple(_d.values())))

</pallas_src>

<mosaic_0001>
#map = affine_map<(d0, d1) -> (0)>
#map1 = affine_map<(d0, d1) -> (0, 0)>
module attributes {stable_mosaic.version = 14 : i64} {
  func.func @_sc_body(%arg0: i32, %arg1: i32, %arg2: memref<51200xi32, #tpu.memory_space<hbm>>, %arg3: memref<51200xi32, #tpu.memory_space<hbm>>, %arg4: memref<1000000xf32, #tpu.memory_space<hbm>>, %arg5: memref<1000xf32, #tpu.memory_space<hbm>>, %arg6: memref<32x16xf32, #tpu.memory_space<hbm>>, %arg7: memref<1600xi32, #tpu.memory_space<vmem>>, %arg8: memref<1600xi32, #tpu.memory_space<vmem>>, %arg9: memref<1600xi32, #tpu.memory_space<vmem>>, %arg10: memref<1600xf32, #tpu.memory_space<vmem>>, %arg11: memref<1600xf32, #tpu.memory_space<vmem>>, %arg12: memref<16xf32, #tpu.memory_space<vmem>>, %arg13: memref<!tpu.dma_semaphore, #tpu.memory_space<semaphore_mem>>) attributes {dimension_semantics = [#tpu.dimension_semantics<core_parallel>, #tpu.dimension_semantics<subcore_parallel>], iteration_bounds = array<i64: 2, 16>, scalar_prefetch = 0 : i64, scratch_operands = 7 : i64, tpu.core_type = #tpu.core_type<sc_vector_subcore>, window_params = [{transform_indices = #map}, {transform_indices = #map}, {transform_indices = #map}, {transform_indices = #map}, {transform_indices = #map1}]} {
    %mul3A = arith.constant 2 : i32
    %mul3A_0 = arith.muli %arg1, %mul3A : i32
    %add3A = arith.addi %mul3A_0, %arg0 : i32
    %mul3A_1 = arith.constant 1600 : i32
    %mul3A_2 = arith.muli %add3A, %mul3A_1 : i32
    "tpu.region"() ({
      %run_scoped3A = tpu.sem_alloc : memref<!tpu.dma_semaphore, #tpu.memory_space<semaphore_mem>>
      %dma_start3A_330 = tpu.memref_slice %arg2[%mul3A_2] : memref<51200xi32, #tpu.memory_space<hbm>> -> memref<1600xi32, #tpu.memory_space<hbm>>
      %dma_start3A_331 = tpu.memref_slice %arg2[%mul3A_2] : memref<51200xi32, #tpu.memory_space<hbm>> -> memref<1600xi32, #tpu.memory_space<hbm>>
      tpu.enqueue_dma source(%dma_start3A_331 : memref<1600xi32, #tpu.memory_space<hbm>>) target(%arg7 : memref<1600xi32, #tpu.memory_space<vmem>>) target_semaphore(%run_scoped3A : memref<!tpu.dma_semaphore, #tpu.memory_space<semaphore_mem>>)
      %dma_wait3A_332 = tpu.memref_slice %arg2[%mul3A_2] : memref<51200xi32, #tpu.memory_space<hbm>> -> memref<1600xi32, #tpu.memory_space<hbm>>
      %dma_wait3A_333 = tpu.memref_slice %arg2[%mul3A_2] : memref<51200xi32, #tpu.memory_space<hbm>> -> memref<1600xi32, #tpu.memory_space<hbm>>
      tpu.wait_dma2 semaphore(%run_scoped3A : memref<!tpu.dma_semaphore, #tpu.memory_space<semaphore_mem>>) src(%dma_wait3A_333 : memref<1600xi32, #tpu.memory_space<hbm>>) dst(%arg7 : memref<1600xi32, #tpu.memory_space<vmem>>)
      tpu.yield
    }) : () -> ()
    "tpu.region"() ({
      %run_scoped3A = tpu.sem_alloc : memref<!tpu.dma_semaphore, #tpu.memory_space<semaphore_mem>>
      %dma_start3A_330 = tpu.memref_slice %arg3[%mul3A_2] : memref<51200xi32, #tpu.memory_space<hbm>> -> memref<1600xi32, #tpu.memory_space<hbm>>
      %dma_start3A_331 = tpu.memref_slice %arg3[%mul3A_2] : memref<51200xi32, #tpu.memory_space<hbm>> -> memref<1600xi32, #tpu.memory_space<hbm>>
      tpu.enqueue_dma source(%dma_start3A_331 : memref<1600xi32, #tpu.memory_space<hbm>>) target(%arg8 : memref<1600xi32, #tpu.memory_space<vmem>>) target_semaphore(%run_scoped3A : memref<!tpu.dma_semaphore, #tpu.memory_space<semaphore_mem>>)
      %dma_wait3A_332 = tpu.memref_slice %arg3[%mul3A_2] : memref<51200xi32, #tpu.memory_space<hbm>> -> memref<1600xi32, #tpu.memory_space<hbm>>
      %dma_wait3A_333 = tpu.memref_slice %arg3[%mul3A_2] : memref<51200xi32, #tpu.memory_space<hbm>> -> memref<1600xi32, #tpu.memory_space<hbm>>
      tpu.wait_dma2 semaphore(%run_scoped3A : memref<!tpu.dma_semaphore, #tpu.memory_space<semaphore_mem>>) src(%dma_wait3A_333 : memref<1600xi32, #tpu.memory_space<hbm>>) dst(%arg8 : memref<1600xi32, #tpu.memory_space<vmem>>)
      tpu.yield
    }) : () -> ()
    %broadcast_in_dim3A = arith.constant 0.000000e+00 : f32
    %broadcast_in_dim3A_3 = vector.broadcast %broadcast_in_dim3A : f32 to vector<16xf32>
    %swap3A = arith.constant 0 : index
    %swap3A_4 = tpu.vector_load %arg12[%swap3A] {strides = array<i32>} : memref<16xf32, #tpu.memory_space<vmem>>, vector<16xf32>,
    %swap3A_5 = vector.shape_cast %swap3A_4 : vector<16xf32> to vector<16xf32>
    %swap3A_6 = vector.shape_cast %broadcast_in_dim3A_3 : vector<16xf32> to vector<16xf32>
    tpu.vector_store %arg12[%swap3A], %swap3A_6 {strides = array<i32>} : memref<16xf32, #tpu.memory_space<vmem>>, vector<16xf32>,
    %scan3A = arith.constant 0 : i32
    %scan3A_7 = arith.constant 0 : i32
    %scan3A_8 = arith.constant 100 : i32
    %scan3A_9 = arith.addi %scan3A_7, %scan3A_8 : i32
    %scan3A_10 = arith.constant 1 : i32
    %scan3A_11 = scf.for %scan3A_330 = %scan3A_7 to %scan3A_9 step %scan3A_10 iter_args(%scan3A_331 = %scan3A) -> (i32)  : i32 {
      %mul3A_332 = arith.constant 16 : i32
      %mul3A_333 = arith.muli %scan3A_330, %mul3A_332 : i32
      %multiple_of3A = tpu.assume_multiple %mul3A_333, 16 : i32
      %get3A = arith.index_cast %multiple_of3A : i32 to index
      %get3A_334 = tpu.vector_load %arg7[%get3A] {strides = array<i32>} : memref<1600xi32, #tpu.memory_space<vmem>>, vector<16xi32>,
      %get3A_335 = vector.shape_cast %get3A_334 : vector<16xi32> to vector<16xi32>
      %get3A_336 = arith.index_cast %multiple_of3A : i32 to index
      %get3A_337 = tpu.vector_load %arg8[%get3A_336] {strides = array<i32>} : memref<1600xi32, #tpu.memory_space<vmem>>, vector<16xi32>,
      %get3A_338 = vector.shape_cast %get3A_337 : vector<16xi32> to vector<16xi32>
      %mul3A_339 = arith.constant 1000 : i32
      %mul3A_340 = vector.broadcast %mul3A_339 : i32 to vector<16xi32>
      %mul3A_341 = arith.muli %get3A_335, %mul3A_340 : vector<16xi32>
      %add3A_342 = arith.addi %mul3A_341, %get3A_338 : vector<16xi32>
      %swap3A_343 = arith.index_cast %multiple_of3A : i32 to index
      %swap3A_344 = tpu.vector_load %arg9[%swap3A_343] {strides = array<i32>} : memref<1600xi32, #tpu.memory_space<vmem>>, vector<16xi32>,
      %swap3A_345 = vector.shape_cast %swap3A_344 : vector<16xi32> to vector<16xi32>
      %swap3A_346 = vector.shape_cast %add3A_342 : vector<16xi32> to vector<16xi32>
      tpu.vector_store %arg9[%swap3A_343], %swap3A_346 {strides = array<i32>} : memref<1600xi32, #tpu.memory_space<vmem>>, vector<16xi32>,
      %scan3A_347 = arith.constant 0 : i32
      scf.yield %scan3A_347 : i32
    }
    %scan3A_12 = arith.constant 100 : i32
    %dma_start3A = arith.constant 0 : i32
    %dma_start3A_13 = tpu.memref_slice %arg10[%dma_start3A] : memref<1600xf32, #tpu.memory_space<vmem>> -> memref<128xf32, #tpu.memory_space<vmem>>
    %dma_start3A_14 = arith.constant 0 : i32
    %dma_start3A_15 = tpu.memref_slice %arg9[%dma_start3A_14] : memref<1600xi32, #tpu.memory_space<vmem>> -> memref<128xi32, #tpu.memory_space<vmem>>
    %dma_start3A_16 = arith.constant 0 : i32
    %dma_start3A_17 = tpu.memref_slice %arg4[%dma_start3A_16] : memref<1000000xf32, #tpu.memory_space<hbm>> -> memref<1000000xf32, #tpu.memory_space<hbm>>
    tpu.enqueue_indirect_dma source(%dma_start3A_17 : memref<1000000xf32, #tpu.memory_space<hbm>>) target(%dma_start3A_13 : memref<128xf32, #tpu.memory_space<vmem>>) offsets(%dma_start3A_15 : memref<128xi32, #tpu.memory_space<vmem>>) semaphore(%arg13 : memref<!tpu.dma_semaphore, #tpu.memory_space<semaphore_mem>>)
    %dma_start3A_18 = arith.constant 0 : i32
    %dma_start3A_19 = tpu.memref_slice %arg11[%dma_start3A_18] : memref<1600xf32, #tpu.memory_space<vmem>> -> memref<128xf32, #tpu.memory_space<vmem>>
    %dma_start3A_20 = arith.constant 0 : i32
    %dma_start3A_21 = tpu.memref_slice %arg7[%dma_start3A_20] : memref<1600xi32, #tpu.memory_space<vmem>> -> memref<128xi32, #tpu.memory_space<vmem>>
    %dma_start3A_22 = arith.constant 0 : i32
    %dma_start3A_23 = tpu.memref_slice %arg5[%dma_start3A_22] : memref<1000xf32, #tpu.memory_space<hbm>> -> memref<1000xf32, #tpu.memory_space<hbm>>
    tpu.enqueue_indirect_dma source(%dma_start3A_23 : memref<1000xf32, #tpu.memory_space<hbm>>) target(%dma_start3A_19 : memref<128xf32, #tpu.memory_space<vmem>>) offsets(%dma_start3A_21 : memref<128xi32, #tpu.memory_space<vmem>>) semaphore(%arg13 : memref<!tpu.dma_semaphore, #tpu.memory_space<semaphore_mem>>)
    %dma_start3A_24 = arith.constant 128 : i32
    %dma_start3A_25 = tpu.memref_slice %arg10[%dma_start3A_24] : memref<1600xf32, #tpu.memory_space<vmem>> -> memref<128xf32, #tpu.memory_space<vmem>>
    %dma_start3A_26 = arith.constant 128 : i32
    %dma_start3A_27 = tpu.memref_slice %arg9[%dma_start3A_26] : memref<1600xi32, #tpu.memory_space<vmem>> -> memref<128xi32, #tpu.memory_space<vmem>>
    %dma_start3A_28 = arith.constant 0 : i32
    %dma_start3A_29 = tpu.memref_slice %arg4[%dma_start3A_28] : memref<1000000xf32, #tpu.memory_space<hbm>> -> memref<1000000xf32, #tpu.memory_space<hbm>>
    tpu.enqueue_indirect_dma source(%dma_start3A_29 : memref<1000000xf32, #tpu.memory_space<hbm>>) target(%dma_start3A_25 : memref<128xf32, #tpu.memory_space<vmem>>) offsets(%dma_start3A_27 : memref<128xi32, #tpu.memory_space<vmem>>) semaphore(%arg13 : memref<!tpu.dma_semaphore, #tpu.memory_space<semaphore_mem>>)
    %dma_start3A_30 = arith.constant 128 : i32
    %dma_start3A_31 = tpu.memref_slice %arg11[%dma_start3A_30] : memref<1600xf32, #tpu.memory_space<vmem>> -> memref<128xf32, #tpu.memory_space<vmem>>
    %dma_start3A_32 = arith.constant 128 : i32
    %dma_start3A_33 = tpu.memref_slice %arg7[%dma_start3A_32] : memref<1600xi32, #tpu.memory_space<vmem>> -> memref<128xi32, #tpu.memory_space<vmem>>
    %dma_start3A_34 = arith.constant 0 : i32
    %dma_start3A_35 = tpu.memref_slice %arg5[%dma_start3A_34] : memref<1000xf32, #tpu.memory_space<hbm>> -> memref<1000xf32, #tpu.memory_space<hbm>>
    tpu.enqueue_indirect_dma source(%dma_start3A_35 : memref<1000xf32, #tpu.memory_space<hbm>>) target(%dma_start3A_31 : memref<128xf32, #tpu.memory_space<vmem>>) offsets(%dma_start3A_33 : memref<128xi32, #tpu.memory_space<vmem>>) semaphore(%arg13 : memref<!tpu.dma_semaphore, #tpu.memory_space<semaphore_mem>>)
    %dma_start3A_36 = arith.constant 256 : i32
    %dma_start3A_37 = tpu.memref_slice %arg10[%dma_start3A_36] : memref<1600xf32, #tpu.memory_space<vmem>> -> memref<128xf32, #tpu.memory_space<vmem>>
    %dma_start3A_38 = arith.constant 256 : i32
    %dma_start3A_39 = tpu.memref_slice %arg9[%dma_start3A_38] : memref<1600xi32, #tpu.memory_space<vmem>> -> memref<128xi32, #tpu.memory_space<vmem>>
    %dma_start3A_40 = arith.constant 0 : i32
    %dma_start3A_41 = tpu.memref_slice %arg4[%dma_start3A_40] : memref<1000000xf32, #tpu.memory_space<hbm>> -> memref<1000000xf32, #tpu.memory_space<hbm>>
    tpu.enqueue_indirect_dma source(%dma_start3A_41 : memref<1000000xf32, #tpu.memory_space<hbm>>) target(%dma_start3A_37 : memref<128xf32, #tpu.memory_space<vmem>>) offsets(%dma_start3A_39 : memref<128xi32, #tpu.memory_space<vmem>>) semaphore(%arg13 : memref<!tpu.dma_semaphore, #tpu.memory_space<semaphore_mem>>)
    %dma_start3A_42 = arith.constant 256 : i32
    %dma_start3A_43 = tpu.memref_slice %arg11[%dma_start3A_42] : memref<1600xf32, #tpu.memory_space<vmem>> -> memref<128xf32, #tpu.memory_space<vmem>>
    %dma_start3A_44 = arith.constant 256 : i32
    %dma_start3A_45 = tpu.memref_slice %arg7[%dma_start3A_44] : memref<1600xi32, #tpu.memory_space<vmem>> -> memref<128xi32, #tpu.memory_space<vmem>>
    %dma_start3A_46 = arith.constant 0 : i32
    %dma_start3A_47 = tpu.memref_slice %arg5[%dma_start3A_46] : memref<1000xf32, #tpu.memory_space<hbm>> -> memref<1000xf32, #tpu.memory_space<hbm>>
    tpu.enqueue_indirect_dma source(%dma_start3A_47 : memref<1000xf32, #tpu.memory_space<hbm>>) target(%dma_start3A_43 : memref<128xf32, #tpu.memory_space<vmem>>) offsets(%dma_start3A_45 : memref<128xi32, #tpu.memory_space<vmem>>) semaphore(%arg13 : memref<!tpu.dma_semaphore, #tpu.memory_space<semaphore_mem>>)
    %dma_start3A_48 = arith.constant 384 : i32
    %dma_start3A_49 = tpu.memref_slice %arg10[%dma_start3A_48] : memref<1600xf32, #tpu.memory_space<vmem>> -> memref<128xf32, #tpu.memory_space<vmem>>
    %dma_start3A_50 = arith.constant 384 : i32
    %dma_start3A_51 = tpu.memref_slice %arg9[%dma_start3A_50] : memref<1600xi32, #tpu.memory_space<vmem>> -> memref<128xi32, #tpu.memory_space<vmem>>
    %dma_start3A_52 = arith.constant 0 : i32
    %dma_start3A_53 = tpu.memref_slice %arg4[%dma_start3A_52] : memref<1000000xf32, #tpu.memory_space<hbm>> -> memref<1000000xf32, #tpu.memory_space<hbm>>
    tpu.enqueue_indirect_dma source(%dma_start3A_53 : memref<1000000xf32, #tpu.memory_space<hbm>>) target(%dma_start3A_49 : memref<128xf32, #tpu.memory_space<vmem>>) offsets(%dma_start3A_51 : memref<128xi32, #tpu.memory_space<vmem>>) semaphore(%arg13 : memref<!tpu.dma_semaphore, #tpu.memory_space<semaphore_mem>>)
    %dma_start3A_54 = arith.constant 384 : i32
    %dma_start3A_55 = tpu.memref_slice %arg11[%dma_start3A_54] : memref<1600xf32, #tpu.memory_space<vmem>> -> memref<128xf32, #tpu.memory_space<vmem>>
    %dma_start3A_56 = arith.constant 384 : i32
    %dma_start3A_57 = tpu.memref_slice %arg7[%dma_start3A_56] : memref<1600xi32, #tpu.memory_space<vmem>> -> memref<128xi32, #tpu.memory_space<vmem>>
    %dma_start3A_58 = arith.constant 0 : i32
    %dma_start3A_59 = tpu.memref_slice %arg5[%dma_start3A_58] : memref<1000xf32, #tpu.memory_space<hbm>> -> memref<1000xf32, #tpu.memory_space<hbm>>
    tpu.enqueue_indirect_dma source(%dma_start3A_59 : memref<1000xf32, #tpu.memory_space<hbm>>) target(%dma_start3A_55 : memref<128xf32, #tpu.memory_space<vmem>>) offsets(%dma_start3A_57 : memref<128xi32, #tpu.memory_space<vmem>>) semaphore(%arg13 : memref<!tpu.dma_semaphore, #tpu.memory_space<semaphore_mem>>)
    %dma_start3A_60 = arith.constant 512 : i32
    %dma_start3A_61 = tpu.memref_slice %arg10[%dma_start3A_60] : memref<1600xf32, #tpu.memory_space<vmem>> -> memref<128xf32, #tpu.memory_space<vmem>>
    %dma_start3A_62 = arith.constant 512 : i32
    %dma_start3A_63 = tpu.memref_slice %arg9[%dma_start3A_62] : memref<1600xi32, #tpu.memory_space<vmem>> -> memref<128xi32, #tpu.memory_space<vmem>>
    %dma_start3A_64 = arith.constant 0 : i32
    %dma_start3A_65 = tpu.memref_slice %arg4[%dma_start3A_64] : memref<1000000xf32, #tpu.memory_space<hbm>> -> memref<1000000xf32, #tpu.memory_space<hbm>>
    tpu.enqueue_indirect_dma source(%dma_start3A_65 : memref<1000000xf32, #tpu.memory_space<hbm>>) target(%dma_start3A_61 : memref<128xf32, #tpu.memory_space<vmem>>) offsets(%dma_start3A_63 : memref<128xi32, #tpu.memory_space<vmem>>) semaphore(%arg13 : memref<!tpu.dma_semaphore, #tpu.memory_space<semaphore_mem>>)
    %dma_start3A_66 = arith.constant 512 : i32
    %dma_start3A_67 = tpu.memref_slice %arg11[%dma_start3A_66] : memref<1600xf32, #tpu.memory_space<vmem>> -> memref<128xf32, #tpu.memory_space<vmem>>
    %dma_start3A_68 = arith.constant 512 : i32
    %dma_start3A_69 = tpu.memref_slice %arg7[%dma_start3A_68] : memref<1600xi32, #tpu.memory_space<vmem>> -> memref<128xi32, #tpu.memory_space<vmem>>
    %dma_start3A_70 = arith.constant 0 : i32
    %dma_start3A_71 = tpu.memref_slice %arg5[%dma_start3A_70] : memref<1000xf32, #tpu.memory_space<hbm>> -> memref<1000xf32, #tpu.memory_space<hbm>>
    tpu.enqueue_indirect_dma source(%dma_start3A_71 : memref<1000xf32, #tpu.memory_space<hbm>>) target(%dma_start3A_67 : memref<128xf32, #tpu.memory_space<vmem>>) offsets(%dma_start3A_69 : memref<128xi32, #tpu.memory_space<vmem>>) semaphore(%arg13 : memref<!tpu.dma_semaphore, #tpu.memory_space<semaphore_mem>>)
    %dma_start3A_72 = arith.constant 640 : i32
    %dma_start3A_73 = tpu.memref_slice %arg10[%dma_start3A_72] : memref<1600xf32, #tpu.memory_space<vmem>> -> memref<128xf32, #tpu.memory_space<vmem>>
    %dma_start3A_74 = arith.constant 640 : i32
    %dma_start3A_75 = tpu.memref_slice %arg9[%dma_start3A_74] : memref<1600xi32, #tpu.memory_space<vmem>> -> memref<128xi32, #tpu.memory_space<vmem>>
    %dma_start3A_76 = arith.constant 0 : i32
    %dma_start3A_77 = tpu.memref_slice %arg4[%dma_start3A_76] : memref<1000000xf32, #tpu.memory_space<hbm>> -> memref<1000000xf32, #tpu.memory_space<hbm>>
    tpu.enqueue_indirect_dma source(%dma_start3A_77 : memref<1000000xf32, #tpu.memory_space<hbm>>) target(%dma_start3A_73 : memref<128xf32, #tpu.memory_space<vmem>>) offsets(%dma_start3A_75 : memref<128xi32, #tpu.memory_space<vmem>>) semaphore(%arg13 : memref<!tpu.dma_semaphore, #tpu.memory_space<semaphore_mem>>)
    %dma_start3A_78 = arith.constant 640 : i32
    %dma_start3A_79 = tpu.memref_slice %arg11[%dma_start3A_78] : memref<1600xf32, #tpu.memory_space<vmem>> -> memref<128xf32, #tpu.memory_space<vmem>>
    %dma_start3A_80 = arith.constant 640 : i32
    %dma_start3A_81 = tpu.memref_slice %arg7[%dma_start3A_80] : memref<1600xi32, #tpu.memory_space<vmem>> -> memref<128xi32, #tpu.memory_space<vmem>>
    %dma_start3A_82 = arith.constant 0 : i32
    %dma_start3A_83 = tpu.memref_slice %arg5[%dma_start3A_82] : memref<1000xf32, #tpu.memory_space<hbm>> -> memref<1000xf32, #tpu.memory_space<hbm>>
    tpu.enqueue_indirect_dma source(%dma_start3A_83 : memref<1000xf32, #tpu.memory_space<hbm>>) target(%dma_start3A_79 : memref<128xf32, #tpu.memory_space<vmem>>) offsets(%dma_start3A_81 : memref<128xi32, #tpu.memory_space<vmem>>) semaphore(%arg13 : memref<!tpu.dma_semaphore, #tpu.memory_space<semaphore_mem>>)
    %dma_start3A_84 = arith.constant 768 : i32
    %dma_start3A_85 = tpu.memref_slice %arg10[%dma_start3A_84] : memref<1600xf32, #tpu.memory_space<vmem>> -> memref<128xf32, #tpu.memory_space<vmem>>
    %dma_start3A_86 = arith.constant 768 : i32
    %dma_start3A_87 = tpu.memref_slice %arg9[%dma_start3A_86] : memref<1600xi32, #tpu.memory_space<vmem>> -> memref<128xi32, #tpu.memory_space<vmem>>
    %dma_start3A_88 = arith.constant 0 : i32
    %dma_start3A_89 = tpu.memref_slice %arg4[%dma_start3A_88] : memref<1000000xf32, #tpu.memory_space<hbm>> -> memref<1000000xf32, #tpu.memory_space<hbm>>
    tpu.enqueue_indirect_dma source(%dma_start3A_89 : memref<1000000xf32, #tpu.memory_space<hbm>>) target(%dma_start3A_85 : memref<128xf32, #tpu.memory_space<vmem>>) offsets(%dma_start3A_87 : memref<128xi32, #tpu.memory_space<vmem>>) semaphore(%arg13 : memref<!tpu.dma_semaphore, #tpu.memory_space<semaphore_mem>>)
    %dma_start3A_90 = arith.constant 768 : i32
    %dma_start3A_91 = tpu.memref_slice %arg11[%dma_start3A_90] : memref<1600xf32, #tpu.memory_space<vmem>> -> memref<128xf32, #tpu.memory_space<vmem>>
    %dma_start3A_92 = arith.constant 768 : i32
    %dma_start3A_93 = tpu.memref_slice %arg7[%dma_start3A_92] : memref<1600xi32, #tpu.memory_space<vmem>> -> memref<128xi32, #tpu.memory_space<vmem>>
    %dma_start3A_94 = arith.constant 0 : i32
    %dma_start3A_95 = tpu.memref_slice %arg5[%dma_start3A_94] : memref<1000xf32, #tpu.memory_space<hbm>> -> memref<1000xf32, #tpu.memory_space<hbm>>
    tpu.enqueue_indirect_dma source(%dma_start3A_95 : memref<1000xf32, #tpu.memory_space<hbm>>) target(%dma_start3A_91 : memref<128xf32, #tpu.memory_space<vmem>>) offsets(%dma_start3A_93 : memref<128xi32, #tpu.memory_space<vmem>>) semaphore(%arg13 : memref<!tpu.dma_semaphore, #tpu.memory_space<semaphore_mem>>)
    %dma_start3A_96 = arith.constant 896 : i32
    %dma_start3A_97 = tpu.memref_slice %arg10[%dma_start3A_96] : memref<1600xf32, #tpu.memory_space<vmem>> -> memref<128xf32, #tpu.memory_space<vmem>>
    %dma_start3A_98 = arith.constant 896 : i32
    %dma_start3A_99 = tpu.memref_slice %arg9[%dma_start3A_98] : memref<1600xi32, #tpu.memory_space<vmem>> -> memref<128xi32, #tpu.memory_space<vmem>>
    %dma_start3A_100 = arith.constant 0 : i32
    %dma_start3A_101 = tpu.memref_slice %arg4[%dma_start3A_100] : memref<1000000xf32, #tpu.memory_space<hbm>> -> memref<1000000xf32, #tpu.memory_space<hbm>>
    tpu.enqueue_indirect_dma source(%dma_start3A_101 : memref<1000000xf32, #tpu.memory_space<hbm>>) target(%dma_start3A_97 : memref<128xf32, #tpu.memory_space<vmem>>) offsets(%dma_start3A_99 : memref<128xi32, #tpu.memory_space<vmem>>) semaphore(%arg13 : memref<!tpu.dma_semaphore, #tpu.memory_space<semaphore_mem>>)
    %dma_start3A_102 = arith.constant 896 : i32
    %dma_start3A_103 = tpu.memref_slice %arg11[%dma_start3A_102] : memref<1600xf32, #tpu.memory_space<vmem>> -> memref<128xf32, #tpu.memory_space<vmem>>
    %dma_start3A_104 = arith.constant 896 : i32
    %dma_start3A_105 = tpu.memref_slice %arg7[%dma_start3A_104] : memref<1600xi32, #tpu.memory_space<vmem>> -> memref<128xi32, #tpu.memory_space<vmem>>
    %dma_start3A_106 = arith.constant 0 : i32
    %dma_start3A_107 = tpu.memref_slice %arg5[%dma_start3A_106] : memref<1000xf32, #tpu.memory_space<hbm>> -> memref<1000xf32, #tpu.memory_space<hbm>>
    tpu.enqueue_indirect_dma source(%dma_start3A_107 : memref<1000xf32, #tpu.memory_space<hbm>>) target(%dma_start3A_103 : memref<128xf32, #tpu.memory_space<vmem>>) offsets(%dma_start3A_105 : memref<128xi32, #tpu.memory_space<vmem>>) semaphore(%arg13 : memref<!tpu.dma_semaphore, #tpu.memory_space<semaphore_mem>>)
    %dma_start3A_108 = arith.constant 1024 : i32
    %dma_start3A_109 = tpu.memref_slice %arg10[%dma_start3A_108] : memref<1600xf32, #tpu.memory_space<vmem>> -> memref<128xf32, #tpu.memory_space<vmem>>
    %dma_start3A_110 = arith.constant 1024 : i32
    %dma_start3A_111 = tpu.memref_slice %arg9[%dma_start3A_110] : memref<1600xi32, #tpu.memory_space<vmem>> -> memref<128xi32, #tpu.memory_space<vmem>>
    %dma_start3A_112 = arith.constant 0 : i32
    %dma_start3A_113 = tpu.memref_slice %arg4[%dma_start3A_112] : memref<1000000xf32, #tpu.memory_space<hbm>> -> memref<1000000xf32, #tpu.memory_space<hbm>>
    tpu.enqueue_indirect_dma source(%dma_start3A_113 : memref<1000000xf32, #tpu.memory_space<hbm>>) target(%dma_start3A_109 : memref<128xf32, #tpu.memory_space<vmem>>) offsets(%dma_start3A_111 : memref<128xi32, #tpu.memory_space<vmem>>) semaphore(%arg13 : memref<!tpu.dma_semaphore, #tpu.memory_space<semaphore_mem>>)
    %dma_start3A_114 = arith.constant 1024 : i32
    %dma_start3A_115 = tpu.memref_slice %arg11[%dma_start3A_114] : memref<1600xf32, #tpu.memory_space<vmem>> -> memref<128xf32, #tpu.memory_space<vmem>>
    %dma_start3A_116 = arith.constant 1024 : i32
    %dma_start3A_117 = tpu.memref_slice %arg7[%dma_start3A_116] : memref<1600xi32, #tpu.memory_space<vmem>> -> memref<128xi32, #tpu.memory_space<vmem>>
    %dma_start3A_118 = arith.constant 0 : i32
    %dma_start3A_119 = tpu.memref_slice %arg5[%dma_start3A_118] : memref<1000xf32, #tpu.memory_space<hbm>> -> memref<1000xf32, #tpu.memory_space<hbm>>
    tpu.enqueue_indirect_dma source(%dma_start3A_119 : memref<1000xf32, #tpu.memory_space<hbm>>) target(%dma_start3A_115 : memref<128xf32, #tpu.memory_space<vmem>>) offsets(%dma_start3A_117 : memref<128xi32, #tpu.memory_space<vmem>>) semaphore(%arg13 : memref<!tpu.dma_semaphore, #tpu.memory_space<semaphore_mem>>)
    %dma_start3A_120 = arith.constant 1152 : i32
    %dma_start3A_121 = tpu.memref_slice %arg10[%dma_start3A_120] : memref<1600xf32, #tpu.memory_space<vmem>> -> memref<128xf32, #tpu.memory_space<vmem>>
    %dma_start3A_122 = arith.constant 1152 : i32
    %dma_start3A_123 = tpu.memref_slice %arg9[%dma_start3A_122] : memref<1600xi32, #tpu.memory_space<vmem>> -> memref<128xi32, #tpu.memory_space<vmem>>
    %dma_start3A_124 = arith.constant 0 : i32
    %dma_start3A_125 = tpu.memref_slice %arg4[%dma_start3A_124] : memref<1000000xf32, #tpu.memory_space<hbm>> -> memref<1000000xf32, #tpu.memory_space<hbm>>
    tpu.enqueue_indirect_dma source(%dma_start3A_125 : memref<1000000xf32, #tpu.memory_space<hbm>>) target(%dma_start3A_121 : memref<128xf32, #tpu.memory_space<vmem>>) offsets(%dma_start3A_123 : memref<128xi32, #tpu.memory_space<vmem>>) semaphore(%arg13 : memref<!tpu.dma_semaphore, #tpu.memory_space<semaphore_mem>>)
    %dma_start3A_126 = arith.constant 1152 : i32
    %dma_start3A_127 = tpu.memref_slice %arg11[%dma_start3A_126] : memref<1600xf32, #tpu.memory_space<vmem>> -> memref<128xf32, #tpu.memory_space<vmem>>
    %dma_start3A_128 = arith.constant 1152 : i32
    %dma_start3A_129 = tpu.memref_slice %arg7[%dma_start3A_128] : memref<1600xi32, #tpu.memory_space<vmem>> -> memref<128xi32, #tpu.memory_space<vmem>>
    %dma_start3A_130 = arith.constant 0 : i32
    %dma_start3A_131 = tpu.memref_slice %arg5[%dma_start3A_130] : memref<1000xf32, #tpu.memory_space<hbm>> -> memref<1000xf32, #tpu.memory_space<hbm>>
    tpu.enqueue_indirect_dma source(%dma_start3A_131 : memref<1000xf32, #tpu.memory_space<hbm>>) target(%dma_start3A_127 : memref<128xf32, #tpu.memory_space<vmem>>) offsets(%dma_start3A_129 : memref<128xi32, #tpu.memory_space<vmem>>) semaphore(%arg13 : memref<!tpu.dma_semaphore, #tpu.memory_space<semaphore_mem>>)
    %dma_start3A_132 = arith.constant 1280 : i32
    %dma_start3A_133 = tpu.memref_slice %arg10[%dma_start3A_132] : memref<1600xf32, #tpu.memory_space<vmem>> -> memref<128xf32, #tpu.memory_space<vmem>>
    %dma_start3A_134 = arith.constant 1280 : i32
    %dma_start3A_135 = tpu.memref_slice %arg9[%dma_start3A_134] : memref<1600xi32, #tpu.memory_space<vmem>> -> memref<128xi32, #tpu.memory_space<vmem>>
    %dma_start3A_136 = arith.constant 0 : i32
    %dma_start3A_137 = tpu.memref_slice %arg4[%dma_start3A_136] : memref<1000000xf32, #tpu.memory_space<hbm>> -> memref<1000000xf32, #tpu.memory_space<hbm>>
    tpu.enqueue_indirect_dma source(%dma_start3A_137 : memref<1000000xf32, #tpu.memory_space<hbm>>) target(%dma_start3A_133 : memref<128xf32, #tpu.memory_space<vmem>>) offsets(%dma_start3A_135 : memref<128xi32, #tpu.memory_space<vmem>>) semaphore(%arg13 : memref<!tpu.dma_semaphore, #tpu.memory_space<semaphore_mem>>)
    %dma_start3A_138 = arith.constant 1280 : i32
    %dma_start3A_139 = tpu.memref_slice %arg11[%dma_start3A_138] : memref<1600xf32, #tpu.memory_space<vmem>> -> memref<128xf32, #tpu.memory_space<vmem>>
    %dma_start3A_140 = arith.constant 1280 : i32
    %dma_start3A_141 = tpu.memref_slice %arg7[%dma_start3A_140] : memref<1600xi32, #tpu.memory_space<vmem>> -> memref<128xi32, #tpu.memory_space<vmem>>
    %dma_start3A_142 = arith.constant 0 : i32
    %dma_start3A_143 = tpu.memref_slice %arg5[%dma_start3A_142] : memref<1000xf32, #tpu.memory_space<hbm>> -> memref<1000xf32, #tpu.memory_space<hbm>>
    tpu.enqueue_indirect_dma source(%dma_start3A_143 : memref<1000xf32, #tpu.memory_space<hbm>>) target(%dma_start3A_139 : memref<128xf32, #tpu.memory_space<vmem>>) offsets(%dma_start3A_141 : memref<128xi32, #tpu.memory_space<vmem>>) semaphore(%arg13 : memref<!tpu.dma_semaphore, #tpu.memory_space<semaphore_mem>>)
    %dma_start3A_144 = arith.constant 1408 : i32
    %dma_start3A_145 = tpu.memref_slice %arg10[%dma_start3A_144] : memref<1600xf32, #tpu.memory_space<vmem>> -> memref<128xf32, #tpu.memory_space<vmem>>
    %dma_start3A_146 = arith.constant 1408 : i32
    %dma_start3A_147 = tpu.memref_slice %arg9[%dma_start3A_146] : memref<1600xi32, #tpu.memory_space<vmem>> -> memref<128xi32, #tpu.memory_space<vmem>>
    %dma_start3A_148 = arith.constant 0 : i32
    %dma_start3A_149 = tpu.memref_slice %arg4[%dma_start3A_148] : memref<1000000xf32, #tpu.memory_space<hbm>> -> memref<1000000xf32, #tpu.memory_space<hbm>>
    tpu.enqueue_indirect_dma source(%dma_start3A_149 : memref<1000000xf32, #tpu.memory_space<hbm>>) target(%dma_start3A_145 : memref<128xf32, #tpu.memory_space<vmem>>) offsets(%dma_start3A_147 : memref<128xi32, #tpu.memory_space<vmem>>) semaphore(%arg13 : memref<!tpu.dma_semaphore, #tpu.memory_space<semaphore_mem>>)
    %dma_start3A_150 = arith.constant 1408 : i32
    %dma_start3A_151 = tpu.memref_slice %arg11[%dma_start3A_150] : memref<1600xf32, #tpu.memory_space<vmem>> -> memref<128xf32, #tpu.memory_space<vmem>>
    %dma_start3A_152 = arith.constant 1408 : i32
    %dma_start3A_153 = tpu.memref_slice %arg7[%dma_start3A_152] : memref<1600xi32, #tpu.memory_space<vmem>> -> memref<128xi32, #tpu.memory_space<vmem>>
    %dma_start3A_154 = arith.constant 0 : i32
    %dma_start3A_155 = tpu.memref_slice %arg5[%dma_start3A_154] : memref<1000xf32, #tpu.memory_space<hbm>> -> memref<1000xf32, #tpu.memory_space<hbm>>
    tpu.enqueue_indirect_dma source(%dma_start3A_155 : memref<1000xf32, #tpu.memory_space<hbm>>) target(%dma_start3A_151 : memref<128xf32, #tpu.memory_space<vmem>>) offsets(%dma_start3A_153 : memref<128xi32, #tpu.memory_space<vmem>>) semaphore(%arg13 : memref<!tpu.dma_semaphore, #tpu.memory_space<semaphore_mem>>)
    %dma_start3A_156 = arith.constant 1536 : i32
    %dma_start3A_157 = tpu.memref_slice %arg10[%dma_start3A_156] : memref<1600xf32, #tpu.memory_space<vmem>> -> memref<64xf32, #tpu.memory_space<vmem>>
    %dma_start3A_158 = arith.constant 1536 : i32
    %dma_start3A_159 = tpu.memref_slice %arg9[%dma_start3A_158] : memref<1600xi32, #tpu.memory_space<vmem>> -> memref<64xi32, #tpu.memory_space<vmem>>
    %dma_start3A_160 = arith.constant 0 : i32
    %dma_start3A_161 = tpu.memref_slice %arg4[%dma_start3A_160] : memref<1000000xf32, #tpu.memory_space<hbm>> -> memref<1000000xf32, #tpu.memory_space<hbm>>
    tpu.enqueue_indirect_dma source(%dma_start3A_161 : memref<1000000xf32, #tpu.memory_space<hbm>>) target(%dma_start3A_157 : memref<64xf32, #tpu.memory_space<vmem>>) offsets(%dma_start3A_159 : memref<64xi32, #tpu.memory_space<vmem>>) semaphore(%arg13 : memref<!tpu.dma_semaphore, #tpu.memory_space<semaphore_mem>>)
    %dma_start3A_162 = arith.constant 1536 : i32
    %dma_start3A_163 = tpu.memref_slice %arg11[%dma_start3A_162] : memref<1600xf32, #tpu.memory_space<vmem>> -> memref<64xf32, #tpu.memory_space<vmem>>
    %dma_start3A_164 = arith.constant 1536 : i32
    %dma_start3A_165 = tpu.memref_slice %arg7[%dma_start3A_164] : memref<1600xi32, #tpu.memory_space<vmem>> -> memref<64xi32, #tpu.memory_space<vmem>>
    %dma_start3A_166 = arith.constant 0 : i32
    %dma_start3A_167 = tpu.memref_slice %arg5[%dma_start3A_166] : memref<1000xf32, #tpu.memory_space<hbm>> -> memref<1000xf32, #tpu.memory_space<hbm>>
    tpu.enqueue_indirect_dma source(%dma_start3A_167 : memref<1000xf32, #tpu.memory_space<hbm>>) target(%dma_start3A_163 : memref<64xf32, #tpu.memory_space<vmem>>) offsets(%dma_start3A_165 : memref<64xi32, #tpu.memory_space<vmem>>) semaphore(%arg13 : memref<!tpu.dma_semaphore, #tpu.memory_space<semaphore_mem>>)
    %dma_wait3A = arith.constant 0 : i32
    %dma_wait3A_168 = tpu.memref_slice %arg10[%dma_wait3A] : memref<1600xf32, #tpu.memory_space<vmem>> -> memref<128xf32, #tpu.memory_space<vmem>>
    %dma_wait3A_169 = arith.constant 0 : i32
    %dma_wait3A_170 = tpu.memref_slice %arg9[%dma_wait3A_169] : memref<1600xi32, #tpu.memory_space<vmem>> -> memref<128xi32, #tpu.memory_space<vmem>>
    %dma_wait3A_171 = arith.constant 0 : i32
    %dma_wait3A_172 = tpu.memref_slice %arg4[%dma_wait3A_171] : memref<1000000xf32, #tpu.memory_space<hbm>> -> memref<1000000xf32, #tpu.memory_space<hbm>>
    tpu.wait_indirect_dma semaphore(%arg13 : memref<!tpu.dma_semaphore, #tpu.memory_space<semaphore_mem>>) src(%dma_wait3A_172 : memref<1000000xf32, #tpu.memory_space<hbm>>) dst(%dma_wait3A_168 : memref<128xf32, #tpu.memory_space<vmem>>)
    %dma_wait3A_173 = arith.constant 0 : i32
    %dma_wait3A_174 = tpu.memref_slice %arg11[%dma_wait3A_173] : memref<1600xf32, #tpu.memory_space<vmem>> -> memref<128xf32, #tpu.memory_space<vmem>>
    %dma_wait3A_175 = arith.constant 0 : i32
    %dma_wait3A_176 = tpu.memref_slice %arg7[%dma_wait3A_175] : memref<1600xi32, #tpu.memory_space<vmem>> -> memref<128xi32, #tpu.memory_space<vmem>>
    %dma_wait3A_177 = arith.constant 0 : i32
    %dma_wait3A_178 = tpu.memref_slice %arg5[%dma_wait3A_177] : memref<1000xf32, #tpu.memory_space<hbm>> -> memref<1000xf32, #tpu.memory_space<hbm>>
    tpu.wait_indirect_dma semaphore(%arg13 : memref<!tpu.dma_semaphore, #tpu.memory_space<semaphore_mem>>) src(%dma_wait3A_178 : memref<1000xf32, #tpu.memory_space<hbm>>) dst(%dma_wait3A_174 : memref<128xf32, #tpu.memory_space<vmem>>)
    %dma_wait3A_179 = arith.constant 128 : i32
    %dma_wait3A_180 = tpu.memref_slice %arg10[%dma_wait3A_179] : memref<1600xf32, #tpu.memory_space<vmem>> -> memref<128xf32, #tpu.memory_space<vmem>>
    %dma_wait3A_181 = arith.constant 128 : i32
    %dma_wait3A_182 = tpu.memref_slice %arg9[%dma_wait3A_181] : memref<1600xi32, #tpu.memory_space<vmem>> -> memref<128xi32, #tpu.memory_space<vmem>>
    %dma_wait3A_183 = arith.constant 0 : i32
    %dma_wait3A_184 = tpu.memref_slice %arg4[%dma_wait3A_183] : memref<1000000xf32, #tpu.memory_space<hbm>> -> memref<1000000xf32, #tpu.memory_space<hbm>>
    tpu.wait_indirect_dma semaphore(%arg13 : memref<!tpu.dma_semaphore, #tpu.memory_space<semaphore_mem>>) src(%dma_wait3A_184 : memref<1000000xf32, #tpu.memory_space<hbm>>) dst(%dma_wait3A_180 : memref<128xf32, #tpu.memory_space<vmem>>)
    %dma_wait3A_185 = arith.constant 128 : i32
    %dma_wait3A_186 = tpu.memref_slice %arg11[%dma_wait3A_185] : memref<1600xf32, #tpu.memory_space<vmem>> -> memref<128xf32, #tpu.memory_space<vmem>>
    %dma_wait3A_187 = arith.constant 128 : i32
    %dma_wait3A_188 = tpu.memref_slice %arg7[%dma_wait3A_187] : memref<1600xi32, #tpu.memory_space<vmem>> -> memref<128xi32, #tpu.memory_space<vmem>>
    %dma_wait3A_189 = arith.constant 0 : i32
    %dma_wait3A_190 = tpu.memref_slice %arg5[%dma_wait3A_189] : memref<1000xf32, #tpu.memory_space<hbm>> -> memref<1000xf32, #tpu.memory_space<hbm>>
    tpu.wait_indirect_dma semaphore(%arg13 : memref<!tpu.dma_semaphore, #tpu.memory_space<semaphore_mem>>) src(%dma_wait3A_190 : memref<1000xf32, #tpu.memory_space<hbm>>) dst(%dma_wait3A_186 : memref<128xf32, #tpu.memory_space<vmem>>)
    %dma_wait3A_191 = arith.constant 256 : i32
    %dma_wait3A_192 = tpu.memref_slice %arg10[%dma_wait3A_191] : memref<1600xf32, #tpu.memory_space<vmem>> -> memref<128xf32, #tpu.memory_space<vmem>>
    %dma_wait3A_193 = arith.constant 256 : i32
    %dma_wait3A_194 = tpu.memref_slice %arg9[%dma_wait3A_193] : memref<1600xi32, #tpu.memory_space<vmem>> -> memref<128xi32, #tpu.memory_space<vmem>>
    %dma_wait3A_195 = arith.constant 0 : i32
    %dma_wait3A_196 = tpu.memref_slice %arg4[%dma_wait3A_195] : memref<1000000xf32, #tpu.memory_space<hbm>> -> memref<1000000xf32, #tpu.memory_space<hbm>>
    tpu.wait_indirect_dma semaphore(%arg13 : memref<!tpu.dma_semaphore, #tpu.memory_space<semaphore_mem>>) src(%dma_wait3A_196 : memref<1000000xf32, #tpu.memory_space<hbm>>) dst(%dma_wait3A_192 : memref<128xf32, #tpu.memory_space<vmem>>)
    %dma_wait3A_197 = arith.constant 256 : i32
    %dma_wait3A_198 = tpu.memref_slice %arg11[%dma_wait3A_197] : memref<1600xf32, #tpu.memory_space<vmem>> -> memref<128xf32, #tpu.memory_space<vmem>>
    %dma_wait3A_199 = arith.constant 256 : i32
    %dma_wait3A_200 = tpu.memref_slice %arg7[%dma_wait3A_199] : memref<1600xi32, #tpu.memory_space<vmem>> -> memref<128xi32, #tpu.memory_space<vmem>>
    %dma_wait3A_201 = arith.constant 0 : i32
    %dma_wait3A_202 = tpu.memref_slice %arg5[%dma_wait3A_201] : memref<1000xf32, #tpu.memory_space<hbm>> -> memref<1000xf32, #tpu.memory_space<hbm>>
    tpu.wait_indirect_dma semaphore(%arg13 : memref<!tpu.dma_semaphore, #tpu.memory_space<semaphore_mem>>) src(%dma_wait3A_202 : memref<1000xf32, #tpu.memory_space<hbm>>) dst(%dma_wait3A_198 : memref<128xf32, #tpu.memory_space<vmem>>)
    %dma_wait3A_203 = arith.constant 384 : i32
    %dma_wait3A_204 = tpu.memref_slice %arg10[%dma_wait3A_203] : memref<1600xf32, #tpu.memory_space<vmem>> -> memref<128xf32, #tpu.memory_space<vmem>>
    %dma_wait3A_205 = arith.constant 384 : i32
    %dma_wait3A_206 = tpu.memref_slice %arg9[%dma_wait3A_205] : memref<1600xi32, #tpu.memory_space<vmem>> -> memref<128xi32, #tpu.memory_space<vmem>>
    %dma_wait3A_207 = arith.constant 0 : i32
    %dma_wait3A_208 = tpu.memref_slice %arg4[%dma_wait3A_207] : memref<1000000xf32, #tpu.memory_space<hbm>> -> memref<1000000xf32, #tpu.memory_space<hbm>>
    tpu.wait_indirect_dma semaphore(%arg13 : memref<!tpu.dma_semaphore, #tpu.memory_space<semaphore_mem>>) src(%dma_wait3A_208 : memref<1000000xf32, #tpu.memory_space<hbm>>) dst(%dma_wait3A_204 : memref<128xf32, #tpu.memory_space<vmem>>)
    %dma_wait3A_209 = arith.constant 384 : i32
    %dma_wait3A_210 = tpu.memref_slice %arg11[%dma_wait3A_209] : memref<1600xf32, #tpu.memory_space<vmem>> -> memref<128xf32, #tpu.memory_space<vmem>>
    %dma_wait3A_211 = arith.constant 384 : i32
    %dma_wait3A_212 = tpu.memref_slice %arg7[%dma_wait3A_211] : memref<1600xi32, #tpu.memory_space<vmem>> -> memref<128xi32, #tpu.memory_space<vmem>>
    %dma_wait3A_213 = arith.constant 0 : i32
    %dma_wait3A_214 = tpu.memref_slice %arg5[%dma_wait3A_213] : memref<1000xf32, #tpu.memory_space<hbm>> -> memref<1000xf32, #tpu.memory_space<hbm>>
    tpu.wait_indirect_dma semaphore(%arg13 : memref<!tpu.dma_semaphore, #tpu.memory_space<semaphore_mem>>) src(%dma_wait3A_214 : memref<1000xf32, #tpu.memory_space<hbm>>) dst(%dma_wait3A_210 : memref<128xf32, #tpu.memory_space<vmem>>)
    %dma_wait3A_215 = arith.constant 512 : i32
    %dma_wait3A_216 = tpu.memref_slice %arg10[%dma_wait3A_215] : memref<1600xf32, #tpu.memory_space<vmem>> -> memref<128xf32, #tpu.memory_space<vmem>>
    %dma_wait3A_217 = arith.constant 512 : i32
    %dma_wait3A_218 = tpu.memref_slice %arg9[%dma_wait3A_217] : memref<1600xi32, #tpu.memory_space<vmem>> -> memref<128xi32, #tpu.memory_space<vmem>>
    %dma_wait3A_219 = arith.constant 0 : i32
    %dma_wait3A_220 = tpu.memref_slice %arg4[%dma_wait3A_219] : memref<1000000xf32, #tpu.memory_space<hbm>> -> memref<1000000xf32, #tpu.memory_space<hbm>>
    tpu.wait_indirect_dma semaphore(%arg13 : memref<!tpu.dma_semaphore, #tpu.memory_space<semaphore_mem>>) src(%dma_wait3A_220 : memref<1000000xf32, #tpu.memory_space<hbm>>) dst(%dma_wait3A_216 : memref<128xf32, #tpu.memory_space<vmem>>)
    %dma_wait3A_221 = arith.constant 512 : i32
    %dma_wait3A_222 = tpu.memref_slice %arg11[%dma_wait3A_221] : memref<1600xf32, #tpu.memory_space<vmem>> -> memref<128xf32, #tpu.memory_space<vmem>>
    %dma_wait3A_223 = arith.constant 512 : i32
    %dma_wait3A_224 = tpu.memref_slice %arg7[%dma_wait3A_223] : memref<1600xi32, #tpu.memory_space<vmem>> -> memref<128xi32, #tpu.memory_space<vmem>>
    %dma_wait3A_225 = arith.constant 0 : i32
    %dma_wait3A_226 = tpu.memref_slice %arg5[%dma_wait3A_225] : memref<1000xf32, #tpu.memory_space<hbm>> -> memref<1000xf32, #tpu.memory_space<hbm>>
    tpu.wait_indirect_dma semaphore(%arg13 : memref<!tpu.dma_semaphore, #tpu.memory_space<semaphore_mem>>) src(%dma_wait3A_226 : memref<1000xf32, #tpu.memory_space<hbm>>) dst(%dma_wait3A_222 : memref<128xf32, #tpu.memory_space<vmem>>)
    %dma_wait3A_227 = arith.constant 640 : i32
    %dma_wait3A_228 = tpu.memref_slice %arg10[%dma_wait3A_227] : memref<1600xf32, #tpu.memory_space<vmem>> -> memref<128xf32, #tpu.memory_space<vmem>>
    %dma_wait3A_229 = arith.constant 640 : i32
    %dma_wait3A_230 = tpu.memref_slice %arg9[%dma_wait3A_229] : memref<1600xi32, #tpu.memory_space<vmem>> -> memref<128xi32, #tpu.memory_space<vmem>>
    %dma_wait3A_231 = arith.constant 0 : i32
    %dma_wait3A_232 = tpu.memref_slice %arg4[%dma_wait3A_231] : memref<1000000xf32, #tpu.memory_space<hbm>> -> memref<1000000xf32, #tpu.memory_space<hbm>>
    tpu.wait_indirect_dma semaphore(%arg13 : memref<!tpu.dma_semaphore, #tpu.memory_space<semaphore_mem>>) src(%dma_wait3A_232 : memref<1000000xf32, #tpu.memory_space<hbm>>) dst(%dma_wait3A_228 : memref<128xf32, #tpu.memory_space<vmem>>)
    %dma_wait3A_233 = arith.constant 640 : i32
    %dma_wait3A_234 = tpu.memref_slice %arg11[%dma_wait3A_233] : memref<1600xf32, #tpu.memory_space<vmem>> -> memref<128xf32, #tpu.memory_space<vmem>>
    %dma_wait3A_235 = arith.constant 640 : i32
    %dma_wait3A_236 = tpu.memref_slice %arg7[%dma_wait3A_235] : memref<1600xi32, #tpu.memory_space<vmem>> -> memref<128xi32, #tpu.memory_space<vmem>>
    %dma_wait3A_237 = arith.constant 0 : i32
    %dma_wait3A_238 = tpu.memref_slice %arg5[%dma_wait3A_237] : memref<1000xf32, #tpu.memory_space<hbm>> -> memref<1000xf32, #tpu.memory_space<hbm>>
    tpu.wait_indirect_dma semaphore(%arg13 : memref<!tpu.dma_semaphore, #tpu.memory_space<semaphore_mem>>) src(%dma_wait3A_238 : memref<1000xf32, #tpu.memory_space<hbm>>) dst(%dma_wait3A_234 : memref<128xf32, #tpu.memory_space<vmem>>)
    %dma_wait3A_239 = arith.constant 768 : i32
    %dma_wait3A_240 = tpu.memref_slice %arg10[%dma_wait3A_239] : memref<1600xf32, #tpu.memory_space<vmem>> -> memref<128xf32, #tpu.memory_space<vmem>>
    %dma_wait3A_241 = arith.constant 768 : i32
    %dma_wait3A_242 = tpu.memref_slice %arg9[%dma_wait3A_241] : memref<1600xi32, #tpu.memory_space<vmem>> -> memref<128xi32, #tpu.memory_space<vmem>>
    %dma_wait3A_243 = arith.constant 0 : i32
    %dma_wait3A_244 = tpu.memref_slice %arg4[%dma_wait3A_243] : memref<1000000xf32, #tpu.memory_space<hbm>> -> memref<1000000xf32, #tpu.memory_space<hbm>>
    tpu.wait_indirect_dma semaphore(%arg13 : memref<!tpu.dma_semaphore, #tpu.memory_space<semaphore_mem>>) src(%dma_wait3A_244 : memref<1000000xf32, #tpu.memory_space<hbm>>) dst(%dma_wait3A_240 : memref<128xf32, #tpu.memory_space<vmem>>)
    %dma_wait3A_245 = arith.constant 768 : i32
    %dma_wait3A_246 = tpu.memref_slice %arg11[%dma_wait3A_245] : memref<1600xf32, #tpu.memory_space<vmem>> -> memref<128xf32, #tpu.memory_space<vmem>>
    %dma_wait3A_247 = arith.constant 768 : i32
    %dma_wait3A_248 = tpu.memref_slice %arg7[%dma_wait3A_247] : memref<1600xi32, #tpu.memory_space<vmem>> -> memref<128xi32, #tpu.memory_space<vmem>>
    %dma_wait3A_249 = arith.constant 0 : i32
    %dma_wait3A_250 = tpu.memref_slice %arg5[%dma_wait3A_249] : memref<1000xf32, #tpu.memory_space<hbm>> -> memref<1000xf32, #tpu.memory_space<hbm>>
    tpu.wait_indirect_dma semaphore(%arg13 : memref<!tpu.dma_semaphore, #tpu.memory_space<semaphore_mem>>) src(%dma_wait3A_250 : memref<1000xf32, #tpu.memory_space<hbm>>) dst(%dma_wait3A_246 : memref<128xf32, #tpu.memory_space<vmem>>)
    %dma_wait3A_251 = arith.constant 896 : i32
    %dma_wait3A_252 = tpu.memref_slice %arg10[%dma_wait3A_251] : memref<1600xf32, #tpu.memory_space<vmem>> -> memref<128xf32, #tpu.memory_space<vmem>>
    %dma_wait3A_253 = arith.constant 896 : i32
    %dma_wait3A_254 = tpu.memref_slice %arg9[%dma_wait3A_253] : memref<1600xi32, #tpu.memory_space<vmem>> -> memref<128xi32, #tpu.memory_space<vmem>>
    %dma_wait3A_255 = arith.constant 0 : i32
    %dma_wait3A_256 = tpu.memref_slice %arg4[%dma_wait3A_255] : memref<1000000xf32, #tpu.memory_space<hbm>> -> memref<1000000xf32, #tpu.memory_space<hbm>>
    tpu.wait_indirect_dma semaphore(%arg13 : memref<!tpu.dma_semaphore, #tpu.memory_space<semaphore_mem>>) src(%dma_wait3A_256 : memref<1000000xf32, #tpu.memory_space<hbm>>) dst(%dma_wait3A_252 : memref<128xf32, #tpu.memory_space<vmem>>)
    %dma_wait3A_257 = arith.constant 896 : i32
    %dma_wait3A_258 = tpu.memref_slice %arg11[%dma_wait3A_257] : memref<1600xf32, #tpu.memory_space<vmem>> -> memref<128xf32, #tpu.memory_space<vmem>>
    %dma_wait3A_259 = arith.constant 896 : i32
    %dma_wait3A_260 = tpu.memref_slice %arg7[%dma_wait3A_259] : memref<1600xi32, #tpu.memory_space<vmem>> -> memref<128xi32, #tpu.memory_space<vmem>>
    %dma_wait3A_261 = arith.constant 0 : i32
    %dma_wait3A_262 = tpu.memref_slice %arg5[%dma_wait3A_261] : memref<1000xf32, #tpu.memory_space<hbm>> -> memref<1000xf32, #tpu.memory_space<hbm>>
    tpu.wait_indirect_dma semaphore(%arg13 : memref<!tpu.dma_semaphore, #tpu.memory_space<semaphore_mem>>) src(%dma_wait3A_262 : memref<1000xf32, #tpu.memory_space<hbm>>) dst(%dma_wait3A_258 : memref<128xf32, #tpu.memory_space<vmem>>)
    %dma_wait3A_263 = arith.constant 1024 : i32
    %dma_wait3A_264 = tpu.memref_slice %arg10[%dma_wait3A_263] : memref<1600xf32, #tpu.memory_space<vmem>> -> memref<128xf32, #tpu.memory_space<vmem>>
    %dma_wait3A_265 = arith.constant 1024 : i32
    %dma_wait3A_266 = tpu.memref_slice %arg9[%dma_wait3A_265] : memref<1600xi32, #tpu.memory_space<vmem>> -> memref<128xi32, #tpu.memory_space<vmem>>
    %dma_wait3A_267 = arith.constant 0 : i32
    %dma_wait3A_268 = tpu.memref_slice %arg4[%dma_wait3A_267] : memref<1000000xf32, #tpu.memory_space<hbm>> -> memref<1000000xf32, #tpu.memory_space<hbm>>
    tpu.wait_indirect_dma semaphore(%arg13 : memref<!tpu.dma_semaphore, #tpu.memory_space<semaphore_mem>>) src(%dma_wait3A_268 : memref<1000000xf32, #tpu.memory_space<hbm>>) dst(%dma_wait3A_264 : memref<128xf32, #tpu.memory_space<vmem>>)
    %dma_wait3A_269 = arith.constant 1024 : i32
    %dma_wait3A_270 = tpu.memref_slice %arg11[%dma_wait3A_269] : memref<1600xf32, #tpu.memory_space<vmem>> -> memref<128xf32, #tpu.memory_space<vmem>>
    %dma_wait3A_271 = arith.constant 1024 : i32
    %dma_wait3A_272 = tpu.memref_slice %arg7[%dma_wait3A_271] : memref<1600xi32, #tpu.memory_space<vmem>> -> memref<128xi32, #tpu.memory_space<vmem>>
    %dma_wait3A_273 = arith.constant 0 : i32
    %dma_wait3A_274 = tpu.memref_slice %arg5[%dma_wait3A_273] : memref<1000xf32, #tpu.memory_space<hbm>> -> memref<1000xf32, #tpu.memory_space<hbm>>
    tpu.wait_indirect_dma semaphore(%arg13 : memref<!tpu.dma_semaphore, #tpu.memory_space<semaphore_mem>>) src(%dma_wait3A_274 : memref<1000xf32, #tpu.memory_space<hbm>>) dst(%dma_wait3A_270 : memref<128xf32, #tpu.memory_space<vmem>>)
    %dma_wait3A_275 = arith.constant 1152 : i32
    %dma_wait3A_276 = tpu.memref_slice %arg10[%dma_wait3A_275] : memref<1600xf32, #tpu.memory_space<vmem>> -> memref<128xf32, #tpu.memory_space<vmem>>
    %dma_wait3A_277 = arith.constant 1152 : i32
    %dma_wait3A_278 = tpu.memref_slice %arg9[%dma_wait3A_277] : memref<1600xi32, #tpu.memory_space<vmem>> -> memref<128xi32, #tpu.memory_space<vmem>>
    %dma_wait3A_279 = arith.constant 0 : i32
    %dma_wait3A_280 = tpu.memref_slice %arg4[%dma_wait3A_279] : memref<1000000xf32, #tpu.memory_space<hbm>> -> memref<1000000xf32, #tpu.memory_space<hbm>>
    tpu.wait_indirect_dma semaphore(%arg13 : memref<!tpu.dma_semaphore, #tpu.memory_space<semaphore_mem>>) src(%dma_wait3A_280 : memref<1000000xf32, #tpu.memory_space<hbm>>) dst(%dma_wait3A_276 : memref<128xf32, #tpu.memory_space<vmem>>)
    %dma_wait3A_281 = arith.constant 1152 : i32
    %dma_wait3A_282 = tpu.memref_slice %arg11[%dma_wait3A_281] : memref<1600xf32, #tpu.memory_space<vmem>> -> memref<128xf32, #tpu.memory_space<vmem>>
    %dma_wait3A_283 = arith.constant 1152 : i32
    %dma_wait3A_284 = tpu.memref_slice %arg7[%dma_wait3A_283] : memref<1600xi32, #tpu.memory_space<vmem>> -> memref<128xi32, #tpu.memory_space<vmem>>
    %dma_wait3A_285 = arith.constant 0 : i32
    %dma_wait3A_286 = tpu.memref_slice %arg5[%dma_wait3A_285] : memref<1000xf32, #tpu.memory_space<hbm>> -> memref<1000xf32, #tpu.memory_space<hbm>>
    tpu.wait_indirect_dma semaphore(%arg13 : memref<!tpu.dma_semaphore, #tpu.memory_space<semaphore_mem>>) src(%dma_wait3A_286 : memref<1000xf32, #tpu.memory_space<hbm>>) dst(%dma_wait3A_282 : memref<128xf32, #tpu.memory_space<vmem>>)
    %dma_wait3A_287 = arith.constant 1280 : i32
    %dma_wait3A_288 = tpu.memref_slice %arg10[%dma_wait3A_287] : memref<1600xf32, #tpu.memory_space<vmem>> -> memref<128xf32, #tpu.memory_space<vmem>>
    %dma_wait3A_289 = arith.constant 1280 : i32
    %dma_wait3A_290 = tpu.memref_slice %arg9[%dma_wait3A_289] : memref<1600xi32, #tpu.memory_space<vmem>> -> memref<128xi32, #tpu.memory_space<vmem>>
    %dma_wait3A_291 = arith.constant 0 : i32
    %dma_wait3A_292 = tpu.memref_slice %arg4[%dma_wait3A_291] : memref<1000000xf32, #tpu.memory_space<hbm>> -> memref<1000000xf32, #tpu.memory_space<hbm>>
    tpu.wait_indirect_dma semaphore(%arg13 : memref<!tpu.dma_semaphore, #tpu.memory_space<semaphore_mem>>) src(%dma_wait3A_292 : memref<1000000xf32, #tpu.memory_space<hbm>>) dst(%dma_wait3A_288 : memref<128xf32, #tpu.memory_space<vmem>>)
    %dma_wait3A_293 = arith.constant 1280 : i32
    %dma_wait3A_294 = tpu.memref_slice %arg11[%dma_wait3A_293] : memref<1600xf32, #tpu.memory_space<vmem>> -> memref<128xf32, #tpu.memory_space<vmem>>
    %dma_wait3A_295 = arith.constant 1280 : i32
    %dma_wait3A_296 = tpu.memref_slice %arg7[%dma_wait3A_295] : memref<1600xi32, #tpu.memory_space<vmem>> -> memref<128xi32, #tpu.memory_space<vmem>>
    %dma_wait3A_297 = arith.constant 0 : i32
    %dma_wait3A_298 = tpu.memref_slice %arg5[%dma_wait3A_297] : memref<1000xf32, #tpu.memory_space<hbm>> -> memref<1000xf32, #tpu.memory_space<hbm>>
    tpu.wait_indirect_dma semaphore(%arg13 : memref<!tpu.dma_semaphore, #tpu.memory_space<semaphore_mem>>) src(%dma_wait3A_298 : memref<1000xf32, #tpu.memory_space<hbm>>) dst(%dma_wait3A_294 : memref<128xf32, #tpu.memory_space<vmem>>)
    %dma_wait3A_299 = arith.constant 1408 : i32
    %dma_wait3A_300 = tpu.memref_slice %arg10[%dma_wait3A_299] : memref<1600xf32, #tpu.memory_space<vmem>> -> memref<128xf32, #tpu.memory_space<vmem>>
    %dma_wait3A_301 = arith.constant 1408 : i32
    %dma_wait3A_302 = tpu.memref_slice %arg9[%dma_wait3A_301] : memref<1600xi32, #tpu.memory_space<vmem>> -> memref<128xi32, #tpu.memory_space<vmem>>
    %dma_wait3A_303 = arith.constant 0 : i32
    %dma_wait3A_304 = tpu.memref_slice %arg4[%dma_wait3A_303] : memref<1000000xf32, #tpu.memory_space<hbm>> -> memref<1000000xf32, #tpu.memory_space<hbm>>
    tpu.wait_indirect_dma semaphore(%arg13 : memref<!tpu.dma_semaphore, #tpu.memory_space<semaphore_mem>>) src(%dma_wait3A_304 : memref<1000000xf32, #tpu.memory_space<hbm>>) dst(%dma_wait3A_300 : memref<128xf32, #tpu.memory_space<vmem>>)
    %dma_wait3A_305 = arith.constant 1408 : i32
    %dma_wait3A_306 = tpu.memref_slice %arg11[%dma_wait3A_305] : memref<1600xf32, #tpu.memory_space<vmem>> -> memref<128xf32, #tpu.memory_space<vmem>>
    %dma_wait3A_307 = arith.constant 1408 : i32
    %dma_wait3A_308 = tpu.memref_slice %arg7[%dma_wait3A_307] : memref<1600xi32, #tpu.memory_space<vmem>> -> memref<128xi32, #tpu.memory_space<vmem>>
    %dma_wait3A_309 = arith.constant 0 : i32
    %dma_wait3A_310 = tpu.memref_slice %arg5[%dma_wait3A_309] : memref<1000xf32, #tpu.memory_space<hbm>> -> memref<1000xf32, #tpu.memory_space<hbm>>
    tpu.wait_indirect_dma semaphore(%arg13 : memref<!tpu.dma_semaphore, #tpu.memory_space<semaphore_mem>>) src(%dma_wait3A_310 : memref<1000xf32, #tpu.memory_space<hbm>>) dst(%dma_wait3A_306 : memref<128xf32, #tpu.memory_space<vmem>>)
    %dma_wait3A_311 = arith.constant 1536 : i32
    %dma_wait3A_312 = tpu.memref_slice %arg10[%dma_wait3A_311] : memref<1600xf32, #tpu.memory_space<vmem>> -> memref<64xf32, #tpu.memory_space<vmem>>
    %dma_wait3A_313 = arith.constant 1536 : i32
    %dma_wait3A_314 = tpu.memref_slice %arg9[%dma_wait3A_313] : memref<1600xi32, #tpu.memory_space<vmem>> -> memref<64xi32, #tpu.memory_space<vmem>>
    %dma_wait3A_315 = arith.constant 0 : i32
    %dma_wait3A_316 = tpu.memref_slice %arg4[%dma_wait3A_315] : memref<1000000xf32, #tpu.memory_space<hbm>> -> memref<1000000xf32, #tpu.memory_space<hbm>>
    tpu.wait_indirect_dma semaphore(%arg13 : memref<!tpu.dma_semaphore, #tpu.memory_space<semaphore_mem>>) src(%dma_wait3A_316 : memref<1000000xf32, #tpu.memory_space<hbm>>) dst(%dma_wait3A_312 : memref<64xf32, #tpu.memory_space<vmem>>)
    %dma_wait3A_317 = arith.constant 1536 : i32
    %dma_wait3A_318 = tpu.memref_slice %arg11[%dma_wait3A_317] : memref<1600xf32, #tpu.memory_space<vmem>> -> memref<64xf32, #tpu.memory_space<vmem>>
    %dma_wait3A_319 = arith.constant 1536 : i32
    %dma_wait3A_320 = tpu.memref_slice %arg7[%dma_wait3A_319] : memref<1600xi32, #tpu.memory_space<vmem>> -> memref<64xi32, #tpu.memory_space<vmem>>
    %dma_wait3A_321 = arith.constant 0 : i32
    %dma_wait3A_322 = tpu.memref_slice %arg5[%dma_wait3A_321] : memref<1000xf32, #tpu.memory_space<hbm>> -> memref<1000xf32, #tpu.memory_space<hbm>>
    tpu.wait_indirect_dma semaphore(%arg13 : memref<!tpu.dma_semaphore, #tpu.memory_space<semaphore_mem>>) src(%dma_wait3A_322 : memref<1000xf32, #tpu.memory_space<hbm>>) dst(%dma_wait3A_318 : memref<64xf32, #tpu.memory_space<vmem>>)
    %scan3A_323 = arith.constant 0 : i32
    %scan3A_324 = arith.constant 0 : i32
    %scan3A_325 = arith.constant 100 : i32
    %scan3A_326 = arith.addi %scan3A_324, %scan3A_325 : i32
    %scan3A_327 = arith.constant 1 : i32
    %scan3A_328 = scf.for %scan3A_330 = %scan3A_324 to %scan3A_326 step %scan3A_327 iter_args(%scan3A_331 = %scan3A_323) -> (i32)  : i32 {
      %mul3A_332 = arith.constant 16 : i32
      %mul3A_333 = arith.muli %scan3A_330, %mul3A_332 : i32
      %multiple_of3A = tpu.assume_multiple %mul3A_333, 16 : i32
      %get3A = arith.constant 0 : index
      %get3A_334 = tpu.vector_load %arg12[%get3A] {strides = array<i32>} : memref<16xf32, #tpu.memory_space<vmem>>, vector<16xf32>,
      %get3A_335 = vector.shape_cast %get3A_334 : vector<16xf32> to vector<16xf32>
      %get3A_336 = arith.index_cast %multiple_of3A : i32 to index
      %get3A_337 = tpu.vector_load %arg11[%get3A_336] {strides = array<i32>} : memref<1600xf32, #tpu.memory_space<vmem>>, vector<16xf32>,
      %get3A_338 = vector.shape_cast %get3A_337 : vector<16xf32> to vector<16xf32>
      %add3A_339 = arith.addf %get3A_335, %get3A_338 : vector<16xf32>
      %get3A_340 = arith.index_cast %multiple_of3A : i32 to index
      %get3A_341 = tpu.vector_load %arg10[%get3A_340] {strides = array<i32>} : memref<1600xf32, #tpu.memory_space<vmem>>, vector<16xf32>,
      %get3A_342 = vector.shape_cast %get3A_341 : vector<16xf32> to vector<16xf32>
      %sub3A = arith.subf %add3A_339, %get3A_342 : vector<16xf32>
      %swap3A_343 = arith.constant 0 : index
      %swap3A_344 = tpu.vector_load %arg12[%swap3A_343] {strides = array<i32>} : memref<16xf32, #tpu.memory_space<vmem>>, vector<16xf32>,
      %swap3A_345 = vector.shape_cast %swap3A_344 : vector<16xf32> to vector<16xf32>
      %swap3A_346 = vector.shape_cast %sub3A : vector<16xf32> to vector<16xf32>
      tpu.vector_store %arg12[%swap3A_343], %swap3A_346 {strides = array<i32>} : memref<16xf32, #tpu.memory_space<vmem>>, vector<16xf32>,
      %scan3A_347 = arith.constant 0 : i32
      scf.yield %scan3A_347 : i32
    }
    %scan3A_329 = arith.constant 100 : i32
    "tpu.region"() ({
      %run_scoped3A = tpu.sem_alloc : memref<!tpu.dma_semaphore, #tpu.memory_space<semaphore_mem>>
      %dma_start3A_330 = arith.constant 0 : i32
      %dma_start3A_331 = tpu.memref_slice %arg6[%add3A, %dma_start3A_330] : memref<32x16xf32, #tpu.memory_space<hbm>> -> memref<1x16xf32, #tpu.memory_space<hbm>>
      %dma_start3A_332 = tpu.memref_squeeze %dma_start3A_331 : memref<1x16xf32, #tpu.memory_space<hbm>> -> memref<16xf32, #tpu.memory_space<hbm>>
      %dma_start3A_333 = arith.constant 0 : i32
      %dma_start3A_334 = tpu.memref_slice %arg6[%add3A, %dma_start3A_333] : memref<32x16xf32, #tpu.memory_space<hbm>> -> memref<1x16xf32, #tpu.memory_space<hbm>>
      %dma_start3A_335 = tpu.memref_squeeze %dma_start3A_334 : memref<1x16xf32, #tpu.memory_space<hbm>> -> memref<16xf32, #tpu.memory_space<hbm>>
      tpu.enqueue_dma source(%arg12 : memref<16xf32, #tpu.memory_space<vmem>>) target(%dma_start3A_335 : memref<16xf32, #tpu.memory_space<hbm>>) target_semaphore(%run_scoped3A : memref<!tpu.dma_semaphore, #tpu.memory_space<semaphore_mem>>)
      %dma_wait3A_336 = arith.constant 0 : i32
      %dma_wait3A_337 = tpu.memref_slice %arg6[%add3A, %dma_wait3A_336] : memref<32x16xf32, #tpu.memory_space<hbm>> -> memref<1x16xf32, #tpu.memory_space<hbm>>
      %dma_wait3A_338 = tpu.memref_squeeze %dma_wait3A_337 : memref<1x16xf32, #tpu.memory_space<hbm>> -> memref<16xf32, #tpu.memory_space<hbm>>
      %dma_wait3A_339 = arith.constant 0 : i32
      %dma_wait3A_340 = tpu.memref_slice %arg6[%add3A, %dma_wait3A_339] : memref<32x16xf32, #tpu.memory_space<hbm>> -> memref<1x16xf32, #tpu.memory_space<hbm>>
      %dma_wait3A_341 = tpu.memref_squeeze %dma_wait3A_340 : memref<1x16xf32, #tpu.memory_space<hbm>> -> memref<16xf32, #tpu.memory_space<hbm>>
      tpu.wait_dma2 semaphore(%run_scoped3A : memref<!tpu.dma_semaphore, #tpu.memory_space<semaphore_mem>>) src(%arg12 : memref<16xf32, #tpu.memory_space<vmem>>) dst(%dma_wait3A_341 : memref<16xf32, #tpu.memory_space<hbm>>)
      tpu.yield
    }) : () -> ()
    return
  }
}

module attributes {stable_mosaic.version = 14 : i64} {
  func.func @_pre_body(%arg0: memref<1000x1000xf32, #tpu.memory_space<vmem>>, %arg1: memref<1000x1xf32, #tpu.memory_space<vmem>>, %arg2: memref<1000x1000xf32, #tpu.memory_space<vmem>>) attributes {dimension_semantics = [], scalar_prefetch = 0 : i64, scratch_operands = 0 : i64, tpu.core_type = #tpu.core_type<tc>} {
    %get3A = arith.constant 0 : index
    %get3A_0 = arith.constant 0 : index
    %get3A_1 = vector.load %arg0[%get3A, %get3A_0] : memref<1000x1000xf32, #tpu.memory_space<vmem>>, vector<1000x1000xf32>
    %reduce_max3A = arith.constant dense<0xFF800000> : vector<1000xf32>
    %reduce_max3A_2 = vector.multi_reduction <maximumf>, %get3A_1, %reduce_max3A [1] : vector<1000x1000xf32> to vector<1000xf32>
    %broadcast_in_dim3A = vector.shape_cast %reduce_max3A_2 : vector<1000xf32> to vector<1000x1xf32>
    %sub3A = vector.broadcast %broadcast_in_dim3A : vector<1000x1xf32> to vector<1000x1000xf32>
    %sub3A_3 = arith.subf %get3A_1, %sub3A : vector<1000x1000xf32>
    %exp3A = math.exp %sub3A_3 : vector<1000x1000xf32>
    %reduce_sum3A = arith.constant dense<0.000000e+00> : vector<1000xf32>
    %reduce_sum3A_4 = vector.multi_reduction <add>, %exp3A, %reduce_sum3A [1] : vector<1000x1000xf32> to vector<1000xf32>
    %broadcast_in_dim3A_5 = vector.shape_cast %reduce_sum3A_4 : vector<1000xf32> to vector<1000x1xf32>
    %log3A = math.log %broadcast_in_dim3A_5 : vector<1000x1xf32>
    %add3A = arith.addf %broadcast_in_dim3A, %log3A : vector<1000x1xf32>
    %swap3A = arith.constant 0 : index
    %swap3A_6 = arith.constant 0 : index
    %swap3A_7 = vector.load %arg1[%swap3A, %swap3A_6] : memref<1000x1xf32, #tpu.memory_space<vmem>>, vector<1000x1xf32>
    tpu.vector_store %arg1[%swap3A, %swap3A_6], %add3A {strides = array<i32>} : memref<1000x1xf32, #tpu.memory_space<vmem>>, vector<1000x1xf32>,
    %swap3A_8 = arith.constant 0 : index
    %swap3A_9 = arith.constant 0 : index
    %swap3A_10 = vector.load %arg2[%swap3A_8, %swap3A_9] : memref<1000x1000xf32, #tpu.memory_space<vmem>>, vector<1000x1000xf32>
    tpu.vector_store %arg2[%swap3A_8, %swap3A_9], %get3A_1 {strides = array<i32>} : memref<1000x1000xf32, #tpu.memory_space<vmem>>, vector<1000x1000xf32>,
    return
  }
}

module attributes {stable_mosaic.version = 14 : i64} {
  func.func @_gather_body(%arg0: i32, %arg1: i32, %arg2: memref<1x1x1024xi32, #tpu.memory_space<vmem>>, %arg3: memref<1000x1000xf32, #tpu.memory_space<vmem>>, %arg4: memref<1x1000x1024xf32, #tpu.memory_space<vmem>>, %arg5: memref<1000x1000xbf16, #tpu.memory_space<vmem>>) attributes {dimension_semantics = [#tpu.dimension_semantics<arbitrary>, #tpu.dimension_semantics<arbitrary>], iteration_bounds = array<i64: 50, 1>, scalar_prefetch = 0 : i64, scratch_operands = 1 : i64, tpu.core_type = #tpu.core_type<tc>, window_params = [{transform_indices = @transform_0, window_bounds = array<i64: 1, 1, 1024>}, {pipeline_mode = #tpu.pipeline_mode<synchronous>, transform_indices = @transform_1, window_bounds = array<i64: 1000, 1000>}, {transform_indices = @transform_2, window_bounds = array<i64: 1, 1000, 1024>}]} {
    %eq3A = arith.constant 0 : i32
    %eq3A_0 = arith.cmpi eq, %arg0, %eq3A : i32
    %eq3A_1 = arith.constant 0 : i32
    %eq3A_2 = arith.cmpi eq, %arg1, %eq3A_1 : i32
    %and3A = arith.andi %eq3A_0, %eq3A_2 : i1
    %convert_element_type3A = arith.extui %and3A : i1 to i32
    %cond3A = arith.constant 0 : i32
    %cond3A_3 = arith.cmpi ne, %convert_element_type3A, %cond3A : i32
    scf.if %cond3A_3 {
      %get3A_22 = arith.constant 0 : index
      %get3A_23 = arith.constant 0 : index
      %get3A_24 = vector.load %arg3[%get3A_22, %get3A_23] : memref<1000x1000xf32, #tpu.memory_space<vmem>>, vector<1000x1000xf32>
      %convert_element_type3A_25 = arith.truncf %get3A_24 : vector<1000x1000xf32> to vector<1000x1000xbf16>
      %swap3A_26 = arith.constant 0 : index
      %swap3A_27 = arith.constant 0 : index
      %swap3A_28 = vector.load %arg5[%swap3A_26, %swap3A_27] : memref<1000x1000xbf16, #tpu.memory_space<vmem>>, vector<1000x1000xbf16>
      tpu.vector_store %arg5[%swap3A_26, %swap3A_27], %convert_element_type3A_25 {strides = array<i32>} : memref<1000x1000xbf16, #tpu.memory_space<vmem>>, vector<1000x1000xbf16>,
    } else {
    }
    %get3A = arith.constant 0 : index
    %get3A_4 = arith.constant 0 : index
    %get3A_5 = arith.constant 0 : index
    %get3A_6 = vector.load %arg2[%get3A, %get3A_4, %get3A_5] : memref<1x1x1024xi32, #tpu.memory_space<vmem>>, vector<1x1x1024xi32>
    %get3A_7 = vector.shape_cast %get3A_6 : vector<1x1x1024xi32> to vector<1024xi32>
    %iota3A = tpu.iota {dimensions = array<i32: 0>} : vector<1000x1024xi32>
    %broadcast_in_dim3A = vector.shape_cast %get3A_7 : vector<1024xi32> to vector<1x1024xi32>
    %eq3A_8 = vector.broadcast %broadcast_in_dim3A : vector<1x1024xi32> to vector<1000x1024xi32>
    %eq3A_9 = arith.cmpi eq, %iota3A, %eq3A_8 : vector<1000x1024xi32>
    %convert_element_type3A_10 = arith.extui %eq3A_9 : vector<1000x1024xi1> to vector<1000x1024xi32>
    %convert_element_type3A_11 = arith.sitofp %convert_element_type3A_10 : vector<1000x1024xi32> to vector<1000x1024xf32>
    %get3A_12 = arith.constant 0 : index
    %get3A_13 = arith.constant 0 : index
    %get3A_14 = vector.load %arg5[%get3A_12, %get3A_13] : memref<1000x1000xbf16, #tpu.memory_space<vmem>>, vector<1000x1000xbf16>
    %convert_element_type3A_15 = arith.truncf %convert_element_type3A_11 : vector<1000x1024xf32> to vector<1000x1024xbf16>
    %dot_general3A = arith.constant dense<0.000000e+00> : vector<1000x1024xf32>
    %dot_general3A_16 = tpu.matmul %get3A_14, %convert_element_type3A_15, %dot_general3A {dimension_numbers = #tpu.dot_dimension_numbers<[1], [0], [0], [1], [0, 0, 1, 1], [], []>, transpose_lhs_hint = false} : vector<1000x1000xbf16>, vector<1000x1024xbf16>, vector<1000x1024xf32> -> vector<1000x1024xf32>
    %swap3A = arith.constant 0 : index
    %swap3A_17 = arith.constant 0 : index
    %swap3A_18 = arith.constant 0 : index
    %swap3A_19 = vector.load %arg4[%swap3A, %swap3A_17, %swap3A_18] : memref<1x1000x1024xf32, #tpu.memory_space<vmem>>, vector<1x1000x1024xf32>
    %swap3A_20 = vector.shape_cast %swap3A_19 : vector<1x1000x1024xf32> to vector<1000x1024xf32>
    %swap3A_21 = vector.shape_cast %dot_general3A_16 : vector<1000x1024xf32> to vector<1x1000x1024xf32>
    tpu.vector_store %arg4[%swap3A, %swap3A_17, %swap3A_18], %swap3A_21 {strides = array<i32>} : memref<1x1000x1024xf32, #tpu.memory_space<vmem>>, vector<1x1000x1024xf32>,
    return
  }
  func.func @transform_0(%arg0: i32, %arg1: i32) -> (i32, i32, i32) {
    %c0_i32 = arith.constant 0 : i32
    %c0_i32_0 = arith.constant 0 : i32
    return %arg0, %c0_i32, %arg1 : i32, i32, i32
  }
  func.func @transform_1(%arg0: i32, %arg1: i32) -> (i32, i32) {
    %c0_i32 = arith.constant 0 : i32
    %c0_i32_0 = arith.constant 0 : i32
    %c0_i32_1 = arith.constant 0 : i32
    return %c0_i32, %c0_i32_0 : i32, i32
  }
  func.func @transform_2(%arg0: i32, %arg1: i32) -> (i32, i32, i32) {
    %c0_i32 = arith.constant 0 : i32
    %c0_i32_0 = arith.constant 0 : i32
    return %arg0, %c0_i32, %arg1 : i32, i32, i32
  }
}

module attributes {stable_mosaic.version = 14 : i64} {
  func.func @_loss_body(%arg0: memref<32x16xf32, #tpu.memory_space<vmem>>, %arg1: memref<1x1xf32, #tpu.memory_space<vmem>>) attributes {dimension_semantics = [], scalar_prefetch = 0 : i64, scratch_operands = 0 : i64, tpu.core_type = #tpu.core_type<tc>} {
    %get3A = arith.constant 0 : index
    %get3A_0 = arith.constant 0 : index
    %get3A_1 = vector.load %arg0[%get3A, %get3A_0] : memref<32x16xf32, #tpu.memory_space<vmem>>, vector<32x16xf32>
    %reduce_sum3A = vector.shape_cast %get3A_1 : vector<32x16xf32> to vector<1x32x16xf32>
    %reduce_sum3A_2 = arith.constant dense<0.000000e+00> : vector<1xf32>
    %reduce_sum3A_3 = vector.multi_reduction <add>, %reduce_sum3A, %reduce_sum3A_2 [1, 2] : vector<1x32x16xf32> to vector<1xf32>
    %reduce_sum3A_4 = vector.shape_cast %reduce_sum3A_3 : vector<1xf32> to vector<1x1x1xf32>
    %reduce_sum3A_5 = vector.extract %reduce_sum3A_4[0, 0, 0] : f32 from vector<1x1x1xf32>
    %reshape3A = vector.broadcast %reduce_sum3A_5 : f32 to vector<1x1xf32>
    %div3A = arith.constant 5.120000e+04 : f32
    %div3A_6 = vector.broadcast %div3A : f32 to vector<1x1xf32>
    %div3A_7 = arith.divf %reshape3A, %div3A_6 : vector<1x1xf32>
    %swap3A = arith.constant 0 : index
    %swap3A_8 = arith.constant 0 : index
    %swap3A_9 = vector.load %arg1[%swap3A, %swap3A_8] : memref<1x1xf32, #tpu.memory_space<vmem>>, vector<1x1xf32>
    tpu.vector_store %arg1[%swap3A, %swap3A_8], %div3A_7 {strides = array<i32>} : memref<1x1xf32, #tpu.memory_space<vmem>>, vector<1x1xf32>,
    return
  }
}

</mosaic_0001>

<sc_bundles>
// kernel: kernel.6.cloned.1.call-start
scs
__scs_entry_jumppad:
0x0: {  	(pc) =	sbr.rel $0x88, $3  }
0x1: {  	(tag) =	ssettag $0x0;
	lr =	simm.s32 $0x1  }
0x2: {  	[smem:$0x3F9E] =	sst lr;
	_ =	strace $0xD0000000  }
0x3: {  	_ = 	snop  }
0x4: {  	_ = 	snop  }
0x5: {  	_ = 	snop  }
0x6: {  	_ = 	snop  }
0x7: {  	_ = 	snop  }
__scs_overlays_trampoline_lowered:
0x8: {  	[smem:$0x3FAD] =	sst s0  }
0x9: {  	[smem:$0x3FAE] =	sst s1  }
0xa: {  	[smem:$0x3FAF] =	sst s2  }
0xb: {  	[smem:$0x3FB0] =	sst s3  }
0xc: {  	[smem:$0x3FB1] =	sst s4  }
0xd: {  	[smem:$0x3FB2] =	sst s5  }
0xe: {  	[smem:$0x3FB3] =	sst s6  }
0xf: {  	[smem:$0x3FB4] =	sst s7  }
0x10: {  	[smem:$0x3FB5] =	sst s8  }
0x11: {  	[smem:$0x3FB6] =	sst s9;
	s0 =	simm.s32 @!p0 $0x0  }
0x12: {  	s1 =	sld [smem:$0x3F9C];
	s0 =	simm.s32 @p0 $0x1  }
0x13: {  	[smem:$0x3FB7] =	sst s0;
	s0 =	simm.s32 @!p1 $0x0  }
0x14: {  	s2 =	sld [smem:$0x3F9B];
	s0 =	simm.s32 @p1 $0x1  }
0x15: {  	[smem:$0x3FB8] =	sst s0;
	s0 =	simm.s32 @!p2 $0x0  }
0x16: {  	s3 =	sld [smem:$0x3FDB];
	s0 =	simm.s32 @p2 $0x1  }
0x17: {  	s4 =	simm.s32 $0x1BF5;
	[smem:$0x3FBA] =	sst s0  }
0x18: {  	s0 =	sld [smem:$0x3F9D];
	_ =	swait.ge [sflag:s4], $0x0  }
0x19: {  	s7 =	sld [smem:$0x3F9E]  }
0x1a: {  	s8 =	sadd.s32 $0xFFFFE003, lr  }
0x1b: {  	s9 =	sadd.s32 $0xFFFFFEF7, lr;
	s5 =	simm.s32 $0xFFFFFFFF;
	p2 =	slt.u32 s8, $0xFFFFF086  }
0x1c: {  	p1 =	slt.u32 s9, $0xF7A;
	s5 =	simm.s32 @!p2 $0x0  }
0x1d: {  	s5 =	simm.s32 @p1 $0x1;
	p0 =	seq.s32 s7, s2  }
0x1e: {  	s7 =	smul.u32 @!p0 $0xF7A, s2;
	p2 =	seq.s32 @!p0 s5, $0x0  }
0x1f: {  	s9 =	smul.u32 $0xF7A, s1;
	s8 =	simm.s32 @!p0 $0x1BF5;
	p2 =	por !p2, p0  }
0x20: {  	[sflag:s8] =	ssyncset.s32 @!p0 $0xFFFFF086;
	s6 =	sadd.s32 @!p0 s3, s7;
	s7 =	simm.s32 @!p0 $0x108  }
0x21: {  	s3 =	sadd.s32 s3, s9;
	s6 =	sadd.s32 @!p0 $0x88, s6;
	s7 =	simm.s32 @p2 $0x1082  }
0x22: {  	[simem:s7], [sflag:s8] =	dma.local @!p0 [hbm:s6], $0xF7A  }
0x23: {  	s9 =	sor.u32 $0xD0000000, s2;
	s6 =	simm.s32 $0x108;
	_ =	swait.ge @!p0 [sflag:s8], $0x0  }
0x24: {  	s3 =	sadd.s32 $0x88, s3;
	s6 =	simm.s32 @!p1 $0x1082;
	[sflag:s4] =	ssyncset.s32 $0xFFFFF086  }
0x25: {  	[simem:s6], [sflag:s4] =	dma.local [hbm:s3], $0xF7A  }
0x26: {  	[smem:$0x3F9E] =	sst s1;
	(tag) =	ssettag s2;
	_ =	strace s9  }
0x27: {  	s1 =	sld [smem:$0x3FAE]  }
0x28: {  	s2 =	sld [smem:$0x3FAF]  }
0x29: {  	s4 =	sld [smem:$0x3FB1]  }
0x2a: {  	p0 =	seq.s32 s5, $0x0;
	s5 =	sld [smem:$0x3FB2]  }
0x2b: {  	s6 =	sld [smem:$0x3FB3]  }
0x2c: {  	s7 =	sld [smem:$0x3FB4]  }
0x2d: {  	s3 =	simm.s32 $0x108;
	s8 =	sld [smem:$0x3FB5]  }
0x2e: {  	s3 =	simm.s32 @!p0 $0x1082;
	s9 =	sld [smem:$0x3FB6]  }
0x2f: {  	lr =	sadd.s32 s0, s3;
	s0 =	sld [smem:$0x3FAD]  }
0x30: {  	s3 =	sld [smem:$0x3FB0]  }
0x31: {  	[smem:$0x3FB9] =	sst s10  }
0x32: {  	s10 =	sld [smem:$0x3FB7];
	_ =	sdelay $0x3  }
0x33: {  	p0 =	seq.s32 s10, $0x1;
	s10 =	sld [smem:$0x3FB9];
	_ =	sdelay $0x3  }
0x34: {  	[smem:$0x3FB9] =	sst s10  }
0x35: {  	s10 =	sld [smem:$0x3FB8];
	_ =	sdelay $0x3  }
0x36: {  	p1 =	seq.s32 s10, $0x1;
	s10 =	sld [smem:$0x3FB9];
	_ =	sdelay $0x3  }
0x37: {  	[smem:$0x3FB9] =	sst s10  }
0x38: {  	s10 =	sld [smem:$0x3FBA]  }
0x39: {  	_ = 	snop;
	(pc) =	sbr.ind lr, $3  }
0x3a: {  	_ = 	snop  }
0x3b: {  	_ = 	snop  }
0x3c: {  	p2 =	seq.s32 s10, $0x1;
	s10 =	sld [smem:$0x3FB9]  }
0x3d: {  	_ =	shalt  }
0x3e: {  	_ =	shalt  }
0x3f: {  	_ =	shalt  }
0x40: {  	_ =	shalt  }
0x41: {  	_ =	shalt  }
0x42: {  	_ =	shalt  }
0x43: {  	_ =	shalt  }
0x44: {  	_ =	shalt  }
0x45: {  	_ =	shalt  }
0x46: {  	_ =	shalt  }
0x47: {  	_ =	shalt  }
0x48: {  	_ =	shalt  }
0x49: {  	_ =	shalt  }
0x4a: {  	_ =	shalt  }
0x4b: {  	_ =	shalt  }
0x4c: {  	_ =	shalt  }
0x4d: {  	_ =	shalt  }
0x4e: {  	_ =	shalt  }
0x4f: {  	_ =	shalt  }
0x50: {  	_ =	shalt  }
0x51: {  	_ =	shalt  }
0x52: {  	_ =	shalt  }
0x53: {  	_ =	shalt  }
0x54: {  	_ =	shalt  }
0x55: {  	_ =	shalt  }
0x56: {  	_ =	shalt  }
0x57: {  	_ =	shalt  }
0x58: {  	_ =	shalt  }
0x59: {  	_ =	shalt  }
0x5a: {  	_ =	shalt  }
0x5b: {  	_ =	shalt  }
0x5c: {  	_ =	shalt  }
0x5d: {  	_ =	shalt  }
0x5e: {  	_ =	shalt  }
0x5f: {  	_ =	shalt  }
0x60: {  	_ =	shalt  }
0x61: {  	_ =	shalt  }
0x62: {  	_ =	shalt  }
0x63: {  	_ =	shalt  }
0x64: {  	_ =	shalt  }
0x65: {  	_ =	shalt  }
0x66: {  	_ =	shalt  }
0x67: {  	_ =	shalt  }
0x68: {  	_ =	shalt  }
0x69: {  	_ =	shalt  }
0x6a: {  	_ =	shalt  }
0x6b: {  	_ =	shalt  }
0x6c: {  	_ =	shalt  }
0x6d: {  	_ =	shalt  }
0x6e: {  	_ =	shalt  }
0x6f: {  	_ =	shalt  }
0x70: {  	_ =	shalt  }
0x71: {  	_ =	shalt  }
0x72: {  	_ =	shalt  }
0x73: {  	_ =	shalt  }
0x74: {  	_ =	shalt  }
0x75: {  	_ =	shalt  }
0x76: {  	_ =	shalt  }
0x77: {  	_ =	shalt  }
0x78: {  	_ =	shalt  }
0x79: {  	_ =	shalt  }
0x7a: {  	_ =	shalt  }
0x7b: {  	_ =	shalt  }
0x7c: {  	_ =	shalt  }
0x7d: {  	_ =	shalt  }
0x7e: {  	_ =	shalt  }
0x7f: {  	_ =	shalt  }
0x80: {  	_ =	shalt  }
0x81: {  	_ =	shalt  }
0x82: {  	_ =	shalt  }
0x83: {  	_ =	shalt  }
0x84: {  	_ =	shalt  }
0x85: {  	_ =	shalt  }
0x86: {  	_ =	shalt  }
0x87: {  	_ =	shalt  }
.Lfunc_end0:
.L_simem_size_0:
called_computation_lowered:
.L_overlay_start_0:
0x88: {  	s2 =	sld [smem:$0x3FD9]  }
0x89: {  	s3 =	sld [smem:$0x3FFE];
	_ =	sdelay $0x1  }
0x8a: {  	s1 =	srdreg.scid  }
0x8b: {  	s0 =	sand.u32 $0x1, s1  }
0x8c: {  	s16 =	sshll.u32 s0, $0xA;
	s2 =	sadd.s32 s3, s2  }
0x8d: {  	s2 =	sadd.s32 s2, s16  }
0x8e: {  	[smem:$0x3FC5] =	sst s2  }
0x8f: {  	_ = 	snop  }
0x90: {  	(tm) =	ssettm $0x1  }
0x91: {  	s17 =	sld [smem:$0x3FFB];
	_ =	sdelay $0x3  }
0x92: {  	_ =	strace s17  }
0x93: {  	s2 =	sld [smem:$0x3FFC];
	_ =	sdelay $0x3  }
0x94: {  	_ =	strace s2  }
0x95: {  	s2 =	sld [smem:$0x3FFD];
	_ =	sdelay $0x3  }
0x96: {  	_ =	strace s2  }
0x97: {  	_ =	strace $0x8FFFFFFF  }
0x98: {  	s18 =	sld [smem:$0x3FDB];
	_ =	sdelay $0x1  }
0x99: {  	s19 =	simm.s32 $_scs_section_size  }
0x9a: {  	s4 =	simm.s32 $_size__tile_overlayer_lowered;
	s5 =	simm.s32 $_tile_overlayer_lowered  }
0x9b: {  	s22 =	simm.s32 $0x1BFF;
	s21 =	sshll.u32 s5, $0x1;
	s2 =	sadd.s32 s19, s18  }
0x9c: {  	s6 =	simm.s32 $0x0;
	s20 =	sshll.u32 s4, $0x1;
	s4 =	sadd.s32 s21, s2  }
0x9d: {  	[timem:s6], [sflag:s22] =	dma.local [hbm:s4], s20  }
0x9e: {  	_ =	swait.ge [sflag:s22], s20  }
0x9f: {  	s3 =	ssub.s32 $0x0, s20;
	[sflag:s22] =	ssyncset.done $0x0  }
0xa0: {  	[sflag:s22] =	ssyncadd.s32 s3;
	_ =	sdelay $0x1  }
0xa1: {  	s23 =	simm.s32 $0x1B8B  }
0xa2: {  	_ =	swait.ge [sflag:s23], $0x1  }
0xa3: {  	[sflag:s23] =	ssyncset.done $0x0  }
0xa4: {  	s25 =	simm.s32 $0x1B8E;
	s24 =	sld [smem:$0x3FFE];
	[sflag:s23] =	ssyncadd.s32 $0xFFFFFFFF  }
0xa5: {  	s26 =	simm.s32 $execute0_lowered;
	[smem:$0x3FD2] =	sst s25  }
0xa6: {  	s4 =	sshll.u32 s26, $0x1;
	_ =	strace $0x80000046;
	[dreg:$0x1] =	wrdreg $0xFFFFFFFF  }
0xa7: {  	s28 =	simm.s32 $_size_execute0_lowered;
	s2 =	sadd.s32 s2, s4;
	[dreg:$0x0] =	wrdreg $0x0  }
0xa8: {  	s4 =	sshll.u32 s28, $0x1;
	[dreg:$0x2] =	wrdreg s2  }
0xa9: {  	[dreg:$0x3] =	wrdreg s4  }
0xaa: {  	[dreg:$0x4] =	wrdreg $0xC0  }
0xab: {  	_ =	task [dreg:s6], $0x5FFFF  }
0xac: {  	[dreg:$0x1] =	wrdreg $0xFFFFFFFF  }
0xad: {  	[dreg:$0x0] =	wrdreg $0x60  }
0xae: {  	[dreg:$0x2] =	wrdreg s24  }
0xaf: {  	[dreg:$0x3] =	wrdreg $0x9  }
0xb0: {  	_ =	task.clear_ibuf [dreg:s6], $0x4FFFF;
	_ =	strace $0x90000046  }
0xb1: {  	s29 =	simm.s32 $0x9;
	_ =	strace $0x80000048  }
0xb2: {  	_ =	swait.ge [sflag:s29], $0x1  }
0xb3: {  	[sflag:s29] =	ssyncadd.s32 $0xFFFFFFFF  }
0xb4: {  	_ =	strace $0x90000048  }
0xb5: {  	_ =	sfence  }
0xb6: {  	s30 =	sld [smem:$0x0];
	_ =	sdelay $0x2  }
0xb7: {  	s31 =	sshll.u32 s1, $0xD;
	s1 =	sshrl.u32 s1, $0x2  }
0xb8: {  	s3 =	sand.u32 $0x4000, s31;
	s1 =	sadd.s32 s1, s30  }
0xb9: {  	s0 =	sor.u32 s3, s0;
	s1 =	sshll.u32 s1, $0x11  }
0xba: {  	s0 =	sor.u32 s1, s0  }
0xbb: {  	s0 =	sadd.s32 $0x8F2B, s0  }
0xbc: {  	[sflag:s0] =	ssyncadd.remote.s32 $0x1  }
0xbd: {  	_ =	sfence.sel $0xFFFF  }
0xbe: {  	[dreg:$0x0] =	wrdreg $0xFFFFFFFF;
	(pc) =	sbr.abs _section_cstart, $3  }
0xbf: {  	[dreg:$0x1] =	wrdreg $0xFFFFFFFF  }
0xc0: {  	_ =	task.clear_ibuf [dreg:s6], $0x2FFFF;
	_ =	strace $0x9FFFFFFF  }
0xc1: {  	(tm) =	ssettm $0x7FFFFFFF  }
tec
execute0_lowered:
.L_overlay_start_1:
0x0: {  	(tag) =	ssettag $0x1  }
0x1: {  	s0 =	srdreg.scid  }
0x2: {  	s2 =	stileid.u32;
	s1 =	rddreg [dreg:$0x0];
	s9 =	simm.s32 $0x2  }
0x3: {  	s11 =	simm.s32 $0x80;
	s25 =	simm.s32 $0x1740;
	s26 =	simm.s32 $0x480  }
0x4: {  	s28 =	simm.s32 $0x1D80;
	s29 =	simm.s32 $0x1180;
	s30 =	simm.s32 $0x17C0  }
0x5: {  	s31 =	simm.s32 $0x500;
	s10 =	simm.s32 $0x1840;
	s12 =	simm.s32 $0x580  }
0x6: {  	s13 =	simm.s32 $0x1E80;
	s14 =	simm.s32 $0x40;
	s15 =	simm.s32 $0x1280  }
0x7: {  	s16 =	simm.s32 $0x18C0;
	s17 =	simm.s32 $0x600;
	s18 =	simm.s32 $0x1F00  }
0x8: {  	s19 =	simm.s32 $0x1;
	s20 =	simm.s32 $0x1F40;
	s21 =	simm.s32 $0x0  }
0x9: {  	s0 =	sand.u32 $0x1, s0;
	s3 =	sshll.u32 s2, $0x1;
	s2 =	simm.s32 $0x0  }
0xa: {  	s4 =	sadd.s32 $0x22600, s1;
	s5 =	sor.u32 s0, s3;
	s0 =	ssub.s32 $0x2, s0  }
0xb: {  	[smem:$0x7FF] =	sst s2;
	s3 =	smul.u32 $0xC8, s5;
	s7 =	sshrl.u32 s0, $0x1  }
0xc: {  	_ =	strace $0x80000047;
	s5 =	sshll.u32 s5, $0x1;
	s0 =	ssub.s32 s0, s7  }
0xd: {  	s6 =	sadd.s32 s3, s1;
	s3 =	sadd.s32 $0x3C00, s1;
	s1 =	sadd.s32 s5, s1  }
0xe: {  	s8 =	smax.u32 s0, $0x1;
	s0 =	simm.s32 $0x1200;
	s5 =	sadd.s32 $0x2200, s6  }
0xf: {  	v0 =	vimm.f32 $0.0e+00;
	s6 =	sadd.s32 $0x800, s6;
	s7 =	sadd.s32 $0x22800, s1;
	s1 =	simm.s32 $0x1E00  }
.LBB2_1:
0x10: {  	[tilespmem:s2], [sflag:$0x2] =	stream.linear.gather [hbm4b:s5+s2], $0x640, $0x38;
	[tilespmem:$0x1F50] =	vst v63  }
0x11: {  	_ =	swait.ge [sflag:s9], $0x640  }
0x12: {  	[sflag:s9] =	ssyncset.done $0x0  }
0x13: {  	s22 =	simm.s32 $0x640;
	[sflag:s9] =	ssyncadd.s32 $0xFFFFF9C0  }
0x14: {  	[tilespmem:s22], [sflag:$0x2] =	stream.linear.gather [hbm4b:s6+s2], $0x640, $0x38;
	[tilespmem:$0x1F50] =	vst v63  }
0x15: {  	_ =	swait.ge [sflag:s9], $0x640  }
0x16: {  	[sflag:s9] =	ssyncset.done $0x0  }
0x17: {  	[sflag:s9] =	ssyncadd.s32 $0xFFFFF9C0  }
0x18: {  	s22 =	simm.s32 $0x0;
	[tilespmem:$0x1F40] =	vst v0  }
0x19: {  	v1 =	vld [tilespmem:s22+$0x0]  }
0x1a: {  	s23 =	simm.s32 $0x40;
	v2 =	vld [tilespmem:s22+$0x640]  }
.LBB2_2:
0x1b: {  	_ = 	snop  }
0x1c: {  	p0 =	sne.s32 s23, $0x18C0  }
.Ltmp0:
0x1d: {  	_ = 	snop;
	(pc) =	sbr.rel @p0 .LBB2_2-.Ltmp0, $4  }
0x1e: {  	v3 =	vmul.u32 $0x3E8, v1  }
0x1f: {  	s24 =	sshra.s32 s23, $0x2  }
0x20: {  	v1 =	vld [tilespmem:s24+$0x0];
	v3 =	vadd.s32 v2, v3  }
0x21: {  	s23 =	sadd.s32 $0x40, s23;
	v2 =	vld [tilespmem:s24+$0x640];
	[tilespmem:s22+$0xC80] =	vst v3;
	s22 =	smov.u32 s24  }
0x22: {  	_ =	sdelay $0x2  }
0x23: {  	v1 =	vmul.u32 $0x3E8, v1;
	_ =	sdelay $0x1  }
0x24: {  	v1 =	vadd.s32 v2, v1  }
0x25: {  	s24 =	simm.s32 $0xC80;
	s23 =	simm.s32 $0x12C0;
	[tilespmem:s22+$0xC80] =	vst v1  }
0x26: {  	[tilespmem:s23], [sflag:$0x1] =	stream.indirect.gather [hbm4b:s3+s11], $0x1, s24, s11, $0xb8;
	[tilespmem:$0x1F50] =	vst v63  }
0x27: {  	s23 =	simm.s32 $0x0;
	s24 =	simm.s32 $0x1900  }
0x28: {  	[tilespmem:s24], [sflag:$0x1] =	stream.indirect.gather [hbm4b:s4+s11], $0x1, s23, s11, $0xb8;
	[tilespmem:$0x1F50] =	vst v63  }
0x29: {  	s23 =	simm.s32 $0xD00;
	s24 =	simm.s32 $0x1340  }
0x2a: {  	[tilespmem:s24], [sflag:$0x1] =	stream.indirect.gather [hbm4b:s3+s11], $0x1, s23, s11, $0xb8;
	[tilespmem:$0x1F50] =	vst v63  }
0x2b: {  	s24 =	simm.s32 $0x1980  }
0x2c: {  	[tilespmem:s24], [sflag:$0x1] =	stream.indirect.gather [hbm4b:s4+s11], $0x1, s11, s11, $0xb8;
	[tilespmem:$0x1F50] =	vst v63  }
0x2d: {  	s23 =	simm.s32 $0xD80;
	s24 =	simm.s32 $0x13C0  }
0x2e: {  	[tilespmem:s24], [sflag:$0x1] =	stream.indirect.gather [hbm4b:s3+s11], $0x1, s23, s11, $0xb8;
	[tilespmem:$0x1F50] =	vst v63  }
0x2f: {  	s23 =	simm.s32 $0x100;
	s24 =	simm.s32 $0x1A00  }
0x30: {  	[tilespmem:s24], [sflag:$0x1] =	stream.indirect.gather [hbm4b:s4+s11], $0x1, s23, s11, $0xb8;
	[tilespmem:$0x1F50] =	vst v63  }
0x31: {  	s23 =	simm.s32 $0xE00;
	s24 =	simm.s32 $0x1440  }
0x32: {  	[tilespmem:s24], [sflag:$0x1] =	stream.indirect.gather [hbm4b:s3+s11], $0x1, s23, s11, $0xb8;
	[tilespmem:$0x1F50] =	vst v63  }
0x33: {  	s23 =	simm.s32 $0x180;
	s24 =	simm.s32 $0x1A80  }
0x34: {  	[tilespmem:s24], [sflag:$0x1] =	stream.indirect.gather [hbm4b:s4+s11], $0x1, s23, s11, $0xb8;
	[tilespmem:$0x1F50] =	vst v63  }
0x35: {  	s23 =	simm.s32 $0xE80;
	s24 =	simm.s32 $0x14C0  }
0x36: {  	[tilespmem:s24], [sflag:$0x1] =	stream.indirect.gather [hbm4b:s3+s11], $0x1, s23, s11, $0xb8;
	[tilespmem:$0x1F50] =	vst v63  }
0x37: {  	s23 =	simm.s32 $0x200;
	s24 =	simm.s32 $0x1B00  }
0x38: {  	[tilespmem:s24], [sflag:$0x1] =	stream.indirect.gather [hbm4b:s4+s11], $0x1, s23, s11, $0xb8;
	[tilespmem:$0x1F50] =	vst v63  }
0x39: {  	s23 =	simm.s32 $0xF00;
	s24 =	simm.s32 $0x1540  }
0x3a: {  	[tilespmem:s24], [sflag:$0x1] =	stream.indirect.gather [hbm4b:s3+s11], $0x1, s23, s11, $0xb8;
	[tilespmem:$0x1F50] =	vst v63  }
0x3b: {  	s23 =	simm.s32 $0x280;
	s24 =	simm.s32 $0x1B80  }
0x3c: {  	[tilespmem:s24], [sflag:$0x1] =	stream.indirect.gather [hbm4b:s4+s11], $0x1, s23, s11, $0xb8;
	[tilespmem:$0x1F50] =	vst v63  }
0x3d: {  	s23 =	simm.s32 $0xF80;
	s24 =	simm.s32 $0x15C0  }
0x3e: {  	[tilespmem:s24], [sflag:$0x1] =	stream.indirect.gather [hbm4b:s3+s11], $0x1, s23, s11, $0xb8;
	[tilespmem:$0x1F50] =	vst v63  }
0x3f: {  	s23 =	simm.s32 $0x300;
	s24 =	simm.s32 $0x1C00  }
0x40: {  	[tilespmem:s24], [sflag:$0x1] =	stream.indirect.gather [hbm4b:s4+s11], $0x1, s23, s11, $0xb8;
	[tilespmem:$0x1F50] =	vst v63  }
0x41: {  	s23 =	simm.s32 $0x1000;
	s24 =	simm.s32 $0x1640  }
0x42: {  	[tilespmem:s24], [sflag:$0x1] =	stream.indirect.gather [hbm4b:s3+s11], $0x1, s23, s11, $0xb8;
	[tilespmem:$0x1F50] =	vst v63  }
0x43: {  	s23 =	simm.s32 $0x380;
	s24 =	simm.s32 $0x1C80  }
0x44: {  	[tilespmem:s24], [sflag:$0x1] =	stream.indirect.gather [hbm4b:s4+s11], $0x1, s23, s11, $0xb8;
	[tilespmem:$0x1F50] =	vst v63  }
0x45: {  	s23 =	simm.s32 $0x1080;
	s24 =	simm.s32 $0x16C0  }
0x46: {  	[tilespmem:s24], [sflag:$0x1] =	stream.indirect.gather [hbm4b:s3+s11], $0x1, s23, s11, $0xb8;
	[tilespmem:$0x1F50] =	vst v63  }
0x47: {  	s23 =	simm.s32 $0x400;
	s24 =	simm.s32 $0x1D00  }
0x48: {  	[tilespmem:s24], [sflag:$0x1] =	stream.indirect.gather [hbm4b:s4+s11], $0x1, s23, s11, $0xb8;
	[tilespmem:$0x1F50] =	vst v63  }
0x49: {  	s24 =	simm.s32 $0x1100  }
0x4a: {  	[tilespmem:s25], [sflag:$0x1] =	stream.indirect.gather [hbm4b:s3+s11], $0x1, s24, s11, $0xb8;
	[tilespmem:$0x1F50] =	vst v63  }
0x4b: {  	_ = 	snop  }
0x4c: {  	[tilespmem:s28], [sflag:$0x1] =	stream.indirect.gather [hbm4b:s4+s11], $0x1, s26, s11, $0xb8;
	[tilespmem:$0x1F50] =	vst v63  }
0x4d: {  	_ = 	snop  }
0x4e: {  	[tilespmem:s30], [sflag:$0x1] =	stream.indirect.gather [hbm4b:s3+s11], $0x1, s29, s11, $0xb8;
	[tilespmem:$0x1F50] =	vst v63  }
0x4f: {  	_ = 	snop  }
0x50: {  	[tilespmem:s1], [sflag:$0x1] =	stream.indirect.gather [hbm4b:s4+s11], $0x1, s31, s11, $0xb8;
	[tilespmem:$0x1F50] =	vst v63  }
0x51: {  	_ = 	snop  }
0x52: {  	[tilespmem:s10], [sflag:$0x1] =	stream.indirect.gather [hbm4b:s3+s11], $0x1, s0, s11, $0xb8;
	[tilespmem:$0x1F50] =	vst v63  }
0x53: {  	_ = 	snop  }
0x54: {  	[tilespmem:s13], [sflag:$0x1] =	stream.indirect.gather [hbm4b:s4+s11], $0x1, s12, s11, $0xb8;
	[tilespmem:$0x1F50] =	vst v63  }
0x55: {  	_ = 	snop  }
0x56: {  	[tilespmem:s16], [sflag:$0x1] =	stream.indirect.gather [hbm4b:s3+s14], $0x1, s15, s14, $0xb8;
	[tilespmem:$0x1F50] =	vst v63  }
0x57: {  	_ = 	snop  }
0x58: {  	[tilespmem:s18], [sflag:$0x1] =	stream.indirect.gather [hbm4b:s4+s14], $0x1, s17, s14, $0xb8;
	[tilespmem:$0x1F50] =	vst v63  }
0x59: {  	_ =	swait.ge [sflag:s19], $0x80  }
0x5a: {  	[sflag:s19] =	ssyncset.done $0x0  }
0x5b: {  	[sflag:s19] =	ssyncadd.s32 $0xFFFFFF80  }
0x5c: {  	_ =	swait.ge [sflag:s19], $0x80  }
0x5d: {  	[sflag:s19] =	ssyncset.done $0x0  }
0x5e: {  	[sflag:s19] =	ssyncadd.s32 $0xFFFFFF80  }
0x5f: {  	_ =	swait.ge [sflag:s19], $0x80  }
0x60: {  	[sflag:s19] =	ssyncset.done $0x0  }
0x61: {  	[sflag:s19] =	ssyncadd.s32 $0xFFFFFF80  }
0x62: {  	_ =	swait.ge [sflag:s19], $0x80  }
0x63: {  	[sflag:s19] =	ssyncset.done $0x0  }
0x64: {  	[sflag:s19] =	ssyncadd.s32 $0xFFFFFF80  }
0x65: {  	_ =	swait.ge [sflag:s19], $0x80  }
0x66: {  	[sflag:s19] =	ssyncset.done $0x0  }
0x67: {  	[sflag:s19] =	ssyncadd.s32 $0xFFFFFF80  }
0x68: {  	_ =	swait.ge [sflag:s19], $0x80  }
0x69: {  	[sflag:s19] =	ssyncset.done $0x0  }
0x6a: {  	[sflag:s19] =	ssyncadd.s32 $0xFFFFFF80  }
0x6b: {  	_ =	swait.ge [sflag:s19], $0x80  }
0x6c: {  	[sflag:s19] =	ssyncset.done $0x0  }
0x6d: {  	[sflag:s19] =	ssyncadd.s32 $0xFFFFFF80  }
0x6e: {  	_ =	swait.ge [sflag:s19], $0x80  }
0x6f: {  	[sflag:s19] =	ssyncset.done $0x0  }
0x70: {  	[sflag:s19] =	ssyncadd.s32 $0xFFFFFF80  }
0x71: {  	_ =	swait.ge [sflag:s19], $0x80  }
0x72: {  	[sflag:s19] =	ssyncset.done $0x0  }
0x73: {  	[sflag:s19] =	ssyncadd.s32 $0xFFFFFF80  }
0x74: {  	_ =	swait.ge [sflag:s19], $0x80  }
0x75: {  	[sflag:s19] =	ssyncset.done $0x0  }
0x76: {  	[sflag:s19] =	ssyncadd.s32 $0xFFFFFF80  }
0x77: {  	_ =	swait.ge [sflag:s19], $0x80  }
0x78: {  	[sflag:s19] =	ssyncset.done $0x0  }
0x79: {  	[sflag:s19] =	ssyncadd.s32 $0xFFFFFF80  }
0x7a: {  	_ =	swait.ge [sflag:s19], $0x80  }
0x7b: {  	[sflag:s19] =	ssyncset.done $0x0  }
0x7c: {  	[sflag:s19] =	ssyncadd.s32 $0xFFFFFF80  }
0x7d: {  	_ =	swait.ge [sflag:s19], $0x80  }
0x7e: {  	[sflag:s19] =	ssyncset.done $0x0  }
0x7f: {  	[sflag:s19] =	ssyncadd.s32 $0xFFFFFF80  }
0x80: {  	_ =	swait.ge [sflag:s19], $0x80  }
0x81: {  	[sflag:s19] =	ssyncset.done $0x0  }
0x82: {  	[sflag:s19] =	ssyncadd.s32 $0xFFFFFF80  }
0x83: {  	_ =	swait.ge [sflag:s19], $0x80  }
0x84: {  	[sflag:s19] =	ssyncset.done $0x0  }
0x85: {  	[sflag:s19] =	ssyncadd.s32 $0xFFFFFF80  }
0x86: {  	_ =	swait.ge [sflag:s19], $0x80  }
0x87: {  	[sflag:s19] =	ssyncset.done $0x0  }
0x88: {  	[sflag:s19] =	ssyncadd.s32 $0xFFFFFF80  }
0x89: {  	_ =	swait.ge [sflag:s19], $0x80  }
0x8a: {  	[sflag:s19] =	ssyncset.done $0x0  }
0x8b: {  	[sflag:s19] =	ssyncadd.s32 $0xFFFFFF80  }
0x8c: {  	_ =	swait.ge [sflag:s19], $0x80  }
0x8d: {  	[sflag:s19] =	ssyncset.done $0x0  }
0x8e: {  	[sflag:s19] =	ssyncadd.s32 $0xFFFFFF80  }
0x8f: {  	_ =	swait.ge [sflag:s19], $0x80  }
0x90: {  	[sflag:s19] =	ssyncset.done $0x0  }
0x91: {  	[sflag:s19] =	ssyncadd.s32 $0xFFFFFF80  }
0x92: {  	_ =	swait.ge [sflag:s19], $0x80  }
0x93: {  	[sflag:s19] =	ssyncset.done $0x0  }
0x94: {  	[sflag:s19] =	ssyncadd.s32 $0xFFFFFF80  }
0x95: {  	_ =	swait.ge [sflag:s19], $0x80  }
0x96: {  	[sflag:s19] =	ssyncset.done $0x0  }
0x97: {  	[sflag:s19] =	ssyncadd.s32 $0xFFFFFF80  }
0x98: {  	_ =	swait.ge [sflag:s19], $0x80  }
0x99: {  	[sflag:s19] =	ssyncset.done $0x0  }
0x9a: {  	[sflag:s19] =	ssyncadd.s32 $0xFFFFFF80  }
0x9b: {  	_ =	swait.ge [sflag:s19], $0x80  }
0x9c: {  	[sflag:s19] =	ssyncset.done $0x0  }
0x9d: {  	[sflag:s19] =	ssyncadd.s32 $0xFFFFFF80  }
0x9e: {  	_ =	swait.ge [sflag:s19], $0x80  }
0x9f: {  	[sflag:s19] =	ssyncset.done $0x0  }
0xa0: {  	[sflag:s19] =	ssyncadd.s32 $0xFFFFFF80  }
0xa1: {  	_ =	swait.ge [sflag:s19], $0x40  }
0xa2: {  	[sflag:s19] =	ssyncset.done $0x0  }
0xa3: {  	[sflag:s19] =	ssyncadd.s32 $0xFFFFFFC0  }
0xa4: {  	_ =	swait.ge [sflag:s19], $0x40  }
0xa5: {  	[sflag:s19] =	ssyncset.done $0x0  }
0xa6: {  	[sflag:s19] =	ssyncadd.s32 $0xFFFFFFC0  }
0xa7: {  	s22 =	simm.s32 $0x40;
	s23 =	simm.s32 $0x0;
	v1 =	vld [tilespmem:$0x1F40]  }
.LBB2_4:
0xa8: {  	p0 =	sne.s32 s22, $0x18C0;
	v2 =	vld [tilespmem:s23+$0x1900];
	_ =	sdelay $0x1  }
0xa9: {  	v3 =	vld [tilespmem:s23+$0x12C0];
	_ =	sdelay $0x2  }
.Ltmp1:
0xaa: {  	v1 =	vadd.f32 v2, v1;
	(pc) =	sbr.rel @p0 .LBB2_4-.Ltmp1, $3  }
0xab: {  	_ = 	snop  }
0xac: {  	v1 =	vsub.f32 v1, v3;
	_ =	sdelay $0x1  }
0xad: {  	s23 =	sshra.s32 s22, $0x2;
	s22 =	sadd.s32 $0x40, s22;
	[tilespmem:$0x1F40] =	vst v1  }
0xae: {  	v2 =	vld [tilespmem:s23+$0x1900];
	_ =	sdelay $0x1  }
0xaf: {  	v3 =	vld [tilespmem:s23+$0x12C0];
	_ =	sdelay $0x2  }
0xb0: {  	v1 =	vadd.f32 v2, v1;
	_ =	sdelay $0x1  }
0xb1: {  	s21 =	sadd.s32 $0x1, s21;
	v1 =	vsub.f32 v1, v3  }
0xb2: {  	p0 =	sne.s32 s21, s8  }
.Ltmp2:
0xb3: {  	[tilespmem:$0x1F40] =	vst v1;
	(pc) =	sbr.rel @p0 .LBB2_1-.Ltmp2, $4  }
0xb4: {  	[hbm4b:s7+s2] =	stream.linear.scatter [tilespmem:s20], [sflag:$0x2], $0x10, $0x38;
	[tilespmem:$0x1F50] =	vst v63  }
0xb5: {  	_ =	swait.ge [sflag:s9], $0x10  }
0xb6: {  	[sflag:s9] =	ssyncset.done $0x0  }
0xb7: {  	[sflag:s9] =	ssyncadd.s32 $0xFFFFFFF0  }
0xb8: {  	_ =	sfence.sel $0x180000  }
0xb9: {  	[bflag:$0x0] =	sbarrier.arrive $0xFFFF  }
0xba: {  	_ =	strace $0x90000047  }
0xbb: {  	s0 =	stileid.u32;
	[bflag:$0x2] =	sbarrier.arrive $0xFFFF  }
0xbc: {  	p0 =	sne.s32 s0, $0x0;
	s0 =	rddreg [dreg:$0x1]  }
0xbd: {  	s0 =	sadd.s32 @!p0 $0x100000, s0  }
0xbe: {  	[sflag:s0] =	ssyncadd.tile.s32 @!p0 $0x1;
	_ =	shalt  }
.Lfunc_end2:
_tile_overlayer_lowered:
.L_overlay_start_2:
0xbf: {  	(tag) =	ssettag $0x2  }
0xc0: {  	s0 =	rddreg [dreg:$0x0];
	s2 =	stileid.u32  }
0xc1: {  	s1 =	rddreg [dreg:$0x1];
	p0 =	sne.s32 s2, $0x0  }
0xc2: {  	s3 =	rddreg [dreg:$0x2];
	[bflag:$0x3] =	sbarrier.arrive $0xFFFF;
	s2 =	simm.s32 @!p0 $0x1C02  }
0xc3: {  	[timem:s3], [sflag:s2] =	dma.local @!p0 [hbm:s0], s1  }
0xc4: {  	s0 =	simm.s32 @!p0 $0x2  }
0xc5: {  	_ =	swait.ge @!p0 [sflag:s0], s1  }
0xc6: {  	s1 =	ssub.s32 @!p0 $0x0, s1;
	[sflag:s0] =	ssyncset.done @!p0 $0x0  }
0xc7: {  	[sflag:s0] =	ssyncadd.s32 @!p0 s1  }
0xc8: {  	[bflag:$0x3] =	sbarrier.arrive $0xFFFF  }
0xc9: {  	_ =	shalt  }

</sc_bundles>
